<compile_context>
chip_gen: v7x
topology: tpu7x:2x2x1
jax: 0.10.2.dev20260603
libtpu: 0.0.44.dev20260713+nightly
codegen_flags: <defaults>
</compile_context>

<pallas_src>
import jax
import jax.numpy as jnp
from jax import lax
from jax.experimental import pallas as pl
from jax.experimental.pallas import tpu as pltpu
from jax.experimental.pallas import tpu_sc as plsc

VOCAB = 100000
BATCH = 4096
HIST = 50

NC = 2
NS = 16
NW = NC * NS
COLS_PER_W = BATCH // NW
CHUNK = 25


def _body(idx_hbm, table_hbm, out_hbm, table_sh, idx_v, out_v, sem, isem):
    cid = lax.axis_index("c")
    sid = lax.axis_index("s")
    wid = sid * NC + cid
    c0 = wid * COLS_PER_W

    icp = pltpu.async_copy(idx_hbm.at[:, pl.ds(c0, COLS_PER_W)], idx_v, isem)

    @pl.when(sid == 0)
    def _():
        pltpu.sync_copy(table_hbm, table_sh)

    plsc.subcore_barrier()
    icp.wait()

    def step(c, carry):
        row = c * CHUNK
        cps = [
            pltpu.async_copy(
                table_sh.at[idx_v.at[row + j]], out_v.at[row + j], sem
            )
            for j in range(CHUNK)
        ]
        for cp in cps:
            cp.wait()
        return carry

    lax.fori_loop(0, HIST // CHUNK, step, 0)
    pltpu.sync_copy(out_v, out_hbm.at[:, pl.ds(c0, COLS_PER_W)])


@jax.jit
def kernel(inputs, table):
    mesh = plsc.VectorSubcoreMesh(core_axis_name="c", subcore_axis_name="s")
    out_t = pl.kernel(
        _body,
        out_type=jax.ShapeDtypeStruct((HIST, BATCH), jnp.float32),
        mesh=mesh,
        compiler_params=pltpu.CompilerParams(needs_layout_passes=False),
        scratch_types=[
            pltpu.VMEM_SHARED((VOCAB,), jnp.float32),
            pltpu.VMEM((HIST, COLS_PER_W), jnp.int32),
            pltpu.VMEM((HIST, COLS_PER_W), jnp.float32),
            pltpu.SemaphoreType.DMA,
            pltpu.SemaphoreType.DMA,
        ],
    )(inputs.T, table)
    return out_t.T

# --- scband reference (transcript-rebuilt; emitter-appended) ---
"""Pipeline reference for scband-to-tags-47296179864254 (READ-ONLY COPY).

The authoritative reference and input builder live on the scoring server;
editing this copy changes nothing except your own understanding.
"""

import jax, jax.numpy as jnp
import numpy as np

VOCAB = 100000
BATCH = 4096
HIST = 50


def setup_inputs(seed: int = 0) -> dict:
    key = jax.random.key(seed)
    k1, k2 = jax.random.split(key)
    # integer token/tag-index ids, shaped like a batch of tag-id sequences
    inputs = jax.random.randint(k1, (BATCH, HIST), 0, VOCAB, dtype=jnp.int32)
    # The original layer maps int ids -> string tags via a StaticHashTable.
    # Strings are not representable in jax, so the table is modeled as a dense
    # value array indexed by key (numeric surrogate for each tag string).
    table = jax.random.normal(k2, (VOCAB,), dtype=jnp.float32)
    return {"inputs": inputs, "table": table}


def reference(inputs, table):
    # StaticHashTable.lookup == dense gather when keys are contiguous ids
    x = jnp.take(table, inputs, axis=0)
    return x

if __name__ == "__main__":
    import jax
    _d = setup_inputs()
    print(jax.jit(kernel)(*tuple(_d.values())))

</pallas_src>

<mosaic_0001>
#map = affine_map<(d0, d1) -> (0, 0)>
#map1 = affine_map<(d0, d1) -> (0)>
module attributes {stable_mosaic.version = 14 : i64} {
  func.func @_body(%arg0: i32, %arg1: i32, %arg2: memref<50x4096xi32, #tpu.memory_space<hbm>>, %arg3: memref<100000xf32, #tpu.memory_space<hbm>>, %arg4: memref<50x4096xf32, #tpu.memory_space<hbm>>, %arg5: memref<100000xf32, #tpu.memory_space<vmem_shared>>, %arg6: memref<50x128xi32, #tpu.memory_space<vmem>>, %arg7: memref<50x128xf32, #tpu.memory_space<vmem>>, %arg8: memref<!tpu.dma_semaphore, #tpu.memory_space<semaphore_mem>>, %arg9: memref<!tpu.dma_semaphore, #tpu.memory_space<semaphore_mem>>) attributes {dimension_semantics = [#tpu.dimension_semantics<core_parallel>, #tpu.dimension_semantics<subcore_parallel>], iteration_bounds = array<i64: 2, 16>, scalar_prefetch = 0 : i64, scratch_operands = 5 : i64, tpu.core_type = #tpu.core_type<sc_vector_subcore>, window_params = [{transform_indices = #map}, {transform_indices = #map1}, {transform_indices = #map}]} {
    %mul3A = arith.constant 2 : i32
    %mul3A_0 = arith.muli %arg1, %mul3A : i32
    %add3A = arith.addi %mul3A_0, %arg0 : i32
    %mul3A_1 = arith.constant 128 : i32
    %mul3A_2 = arith.muli %add3A, %mul3A_1 : i32
    %dma_start3A = arith.constant 0 : i32
    %dma_start3A_3 = tpu.memref_slice %arg2[%dma_start3A, %mul3A_2] : memref<50x4096xi32, #tpu.memory_space<hbm>> -> memref<50x128xi32, #tpu.memory_space<hbm>>
    %dma_start3A_4 = arith.constant 0 : i32
    %dma_start3A_5 = tpu.memref_slice %arg2[%dma_start3A_4, %mul3A_2] : memref<50x4096xi32, #tpu.memory_space<hbm>> -> memref<50x128xi32, #tpu.memory_space<hbm>>
    tpu.enqueue_dma source(%dma_start3A_5 : memref<50x128xi32, #tpu.memory_space<hbm>>) target(%arg6 : memref<50x128xi32, #tpu.memory_space<vmem>>) target_semaphore(%arg9 : memref<!tpu.dma_semaphore, #tpu.memory_space<semaphore_mem>>)
    %eq3A = arith.constant 0 : i32
    %eq3A_6 = arith.cmpi eq, %arg1, %eq3A : i32
    %convert_element_type3A = arith.extui %eq3A_6 : i1 to i32
    %cond3A = arith.constant 0 : i32
    %cond3A_7 = arith.cmpi ne, %convert_element_type3A, %cond3A : i32
    scf.if %cond3A_7 {
      "tpu.region"() ({
        %run_scoped3A = tpu.sem_alloc : memref<!tpu.dma_semaphore, #tpu.memory_space<semaphore_mem>>
        tpu.enqueue_dma source(%arg3 : memref<100000xf32, #tpu.memory_space<hbm>>) target(%arg5 : memref<100000xf32, #tpu.memory_space<vmem_shared>>) target_semaphore(%run_scoped3A : memref<!tpu.dma_semaphore, #tpu.memory_space<semaphore_mem>>)
        tpu.wait_dma2 semaphore(%run_scoped3A : memref<!tpu.dma_semaphore, #tpu.memory_space<semaphore_mem>>) src(%arg3 : memref<100000xf32, #tpu.memory_space<hbm>>) dst(%arg5 : memref<100000xf32, #tpu.memory_space<vmem_shared>>)
        tpu.yield
      }) : () -> ()
    } else {
    }
    %barrier3A = arith.constant 0 : index
    tpu.barrier barrier_id(%barrier3A)
    %dma_wait3A = arith.constant 0 : i32
    %dma_wait3A_8 = tpu.memref_slice %arg2[%dma_wait3A, %mul3A_2] : memref<50x4096xi32, #tpu.memory_space<hbm>> -> memref<50x128xi32, #tpu.memory_space<hbm>>
    %dma_wait3A_9 = arith.constant 0 : i32
    %dma_wait3A_10 = tpu.memref_slice %arg2[%dma_wait3A_9, %mul3A_2] : memref<50x4096xi32, #tpu.memory_space<hbm>> -> memref<50x128xi32, #tpu.memory_space<hbm>>
    tpu.wait_dma2 semaphore(%arg9 : memref<!tpu.dma_semaphore, #tpu.memory_space<semaphore_mem>>) src(%dma_wait3A_10 : memref<50x128xi32, #tpu.memory_space<hbm>>) dst(%arg6 : memref<50x128xi32, #tpu.memory_space<vmem>>)
    %scan3A = arith.constant 0 : i32
    %scan3A_11 = arith.constant 0 : i32
    %scan3A_12 = arith.constant 2 : i32
    %scan3A_13 = arith.addi %scan3A_11, %scan3A_12 : i32
    %scan3A_14 = arith.constant 1 : i32
    scf.for %scan3A_16 = %scan3A_11 to %scan3A_13 step %scan3A_14  : i32 {
      %mul3A_17 = arith.constant 25 : i32
      %mul3A_18 = arith.muli %scan3A_16, %mul3A_17 : i32
      %add3A_19 = arith.constant 0 : i32
      %add3A_20 = arith.addi %mul3A_18, %add3A_19 : i32
      %add3A_21 = arith.constant 0 : i32
      %add3A_22 = arith.addi %mul3A_18, %add3A_21 : i32
      %dma_start3A_23 = arith.constant 0 : i32
      %dma_start3A_24 = tpu.memref_slice %arg7[%add3A_22, %dma_start3A_23] : memref<50x128xf32, #tpu.memory_space<vmem>> -> memref<1x128xf32, #tpu.memory_space<vmem>>
      %dma_start3A_25 = tpu.memref_squeeze %dma_start3A_24 : memref<1x128xf32, #tpu.memory_space<vmem>> -> memref<128xf32, #tpu.memory_space<vmem>>
      %dma_start3A_26 = arith.constant 0 : i32
      %dma_start3A_27 = tpu.memref_slice %arg6[%add3A_20, %dma_start3A_26] : memref<50x128xi32, #tpu.memory_space<vmem>> -> memref<1x128xi32, #tpu.memory_space<vmem>>
      %dma_start3A_28 = tpu.memref_squeeze %dma_start3A_27 : memref<1x128xi32, #tpu.memory_space<vmem>> -> memref<128xi32, #tpu.memory_space<vmem>>
      %dma_start3A_29 = arith.constant 0 : i32
      %dma_start3A_30 = tpu.memref_slice %arg5[%dma_start3A_29] : memref<100000xf32, #tpu.memory_space<vmem_shared>> -> memref<100000xf32, #tpu.memory_space<vmem_shared>>
      tpu.enqueue_indirect_dma source(%dma_start3A_30 : memref<100000xf32, #tpu.memory_space<vmem_shared>>) target(%dma_start3A_25 : memref<128xf32, #tpu.memory_space<vmem>>) offsets(%dma_start3A_28 : memref<128xi32, #tpu.memory_space<vmem>>) semaphore(%arg8 : memref<!tpu.dma_semaphore, #tpu.memory_space<semaphore_mem>>)
      %add3A_31 = arith.constant 1 : i32
      %add3A_32 = arith.addi %mul3A_18, %add3A_31 : i32
      %add3A_33 = arith.constant 1 : i32
      %add3A_34 = arith.addi %mul3A_18, %add3A_33 : i32
      %dma_start3A_35 = arith.constant 0 : i32
      %dma_start3A_36 = tpu.memref_slice %arg7[%add3A_34, %dma_start3A_35] : memref<50x128xf32, #tpu.memory_space<vmem>> -> memref<1x128xf32, #tpu.memory_space<vmem>>
      %dma_start3A_37 = tpu.memref_squeeze %dma_start3A_36 : memref<1x128xf32, #tpu.memory_space<vmem>> -> memref<128xf32, #tpu.memory_space<vmem>>
      %dma_start3A_38 = arith.constant 0 : i32
      %dma_start3A_39 = tpu.memref_slice %arg6[%add3A_32, %dma_start3A_38] : memref<50x128xi32, #tpu.memory_space<vmem>> -> memref<1x128xi32, #tpu.memory_space<vmem>>
      %dma_start3A_40 = tpu.memref_squeeze %dma_start3A_39 : memref<1x128xi32, #tpu.memory_space<vmem>> -> memref<128xi32, #tpu.memory_space<vmem>>
      %dma_start3A_41 = arith.constant 0 : i32
      %dma_start3A_42 = tpu.memref_slice %arg5[%dma_start3A_41] : memref<100000xf32, #tpu.memory_space<vmem_shared>> -> memref<100000xf32, #tpu.memory_space<vmem_shared>>
      tpu.enqueue_indirect_dma source(%dma_start3A_42 : memref<100000xf32, #tpu.memory_space<vmem_shared>>) target(%dma_start3A_37 : memref<128xf32, #tpu.memory_space<vmem>>) offsets(%dma_start3A_40 : memref<128xi32, #tpu.memory_space<vmem>>) semaphore(%arg8 : memref<!tpu.dma_semaphore, #tpu.memory_space<semaphore_mem>>)
      %add3A_43 = arith.constant 2 : i32
      %add3A_44 = arith.addi %mul3A_18, %add3A_43 : i32
      %add3A_45 = arith.constant 2 : i32
      %add3A_46 = arith.addi %mul3A_18, %add3A_45 : i32
      %dma_start3A_47 = arith.constant 0 : i32
      %dma_start3A_48 = tpu.memref_slice %arg7[%add3A_46, %dma_start3A_47] : memref<50x128xf32, #tpu.memory_space<vmem>> -> memref<1x128xf32, #tpu.memory_space<vmem>>
      %dma_start3A_49 = tpu.memref_squeeze %dma_start3A_48 : memref<1x128xf32, #tpu.memory_space<vmem>> -> memref<128xf32, #tpu.memory_space<vmem>>
      %dma_start3A_50 = arith.constant 0 : i32
      %dma_start3A_51 = tpu.memref_slice %arg6[%add3A_44, %dma_start3A_50] : memref<50x128xi32, #tpu.memory_space<vmem>> -> memref<1x128xi32, #tpu.memory_space<vmem>>
      %dma_start3A_52 = tpu.memref_squeeze %dma_start3A_51 : memref<1x128xi32, #tpu.memory_space<vmem>> -> memref<128xi32, #tpu.memory_space<vmem>>
      %dma_start3A_53 = arith.constant 0 : i32
      %dma_start3A_54 = tpu.memref_slice %arg5[%dma_start3A_53] : memref<100000xf32, #tpu.memory_space<vmem_shared>> -> memref<100000xf32, #tpu.memory_space<vmem_shared>>
      tpu.enqueue_indirect_dma source(%dma_start3A_54 : memref<100000xf32, #tpu.memory_space<vmem_shared>>) target(%dma_start3A_49 : memref<128xf32, #tpu.memory_space<vmem>>) offsets(%dma_start3A_52 : memref<128xi32, #tpu.memory_space<vmem>>) semaphore(%arg8 : memref<!tpu.dma_semaphore, #tpu.memory_space<semaphore_mem>>)
      %add3A_55 = arith.constant 3 : i32
      %add3A_56 = arith.addi %mul3A_18, %add3A_55 : i32
      %add3A_57 = arith.constant 3 : i32
      %add3A_58 = arith.addi %mul3A_18, %add3A_57 : i32
      %dma_start3A_59 = arith.constant 0 : i32
      %dma_start3A_60 = tpu.memref_slice %arg7[%add3A_58, %dma_start3A_59] : memref<50x128xf32, #tpu.memory_space<vmem>> -> memref<1x128xf32, #tpu.memory_space<vmem>>
      %dma_start3A_61 = tpu.memref_squeeze %dma_start3A_60 : memref<1x128xf32, #tpu.memory_space<vmem>> -> memref<128xf32, #tpu.memory_space<vmem>>
      %dma_start3A_62 = arith.constant 0 : i32
      %dma_start3A_63 = tpu.memref_slice %arg6[%add3A_56, %dma_start3A_62] : memref<50x128xi32, #tpu.memory_space<vmem>> -> memref<1x128xi32, #tpu.memory_space<vmem>>
      %dma_start3A_64 = tpu.memref_squeeze %dma_start3A_63 : memref<1x128xi32, #tpu.memory_space<vmem>> -> memref<128xi32, #tpu.memory_space<vmem>>
      %dma_start3A_65 = arith.constant 0 : i32
      %dma_start3A_66 = tpu.memref_slice %arg5[%dma_start3A_65] : memref<100000xf32, #tpu.memory_space<vmem_shared>> -> memref<100000xf32, #tpu.memory_space<vmem_shared>>
      tpu.enqueue_indirect_dma source(%dma_start3A_66 : memref<100000xf32, #tpu.memory_space<vmem_shared>>) target(%dma_start3A_61 : memref<128xf32, #tpu.memory_space<vmem>>) offsets(%dma_start3A_64 : memref<128xi32, #tpu.memory_space<vmem>>) semaphore(%arg8 : memref<!tpu.dma_semaphore, #tpu.memory_space<semaphore_mem>>)
      %add3A_67 = arith.constant 4 : i32
      %add3A_68 = arith.addi %mul3A_18, %add3A_67 : i32
      %add3A_69 = arith.constant 4 : i32
      %add3A_70 = arith.addi %mul3A_18, %add3A_69 : i32
      %dma_start3A_71 = arith.constant 0 : i32
      %dma_start3A_72 = tpu.memref_slice %arg7[%add3A_70, %dma_start3A_71] : memref<50x128xf32, #tpu.memory_space<vmem>> -> memref<1x128xf32, #tpu.memory_space<vmem>>
      %dma_start3A_73 = tpu.memref_squeeze %dma_start3A_72 : memref<1x128xf32, #tpu.memory_space<vmem>> -> memref<128xf32, #tpu.memory_space<vmem>>
      %dma_start3A_74 = arith.constant 0 : i32
      %dma_start3A_75 = tpu.memref_slice %arg6[%add3A_68, %dma_start3A_74] : memref<50x128xi32, #tpu.memory_space<vmem>> -> memref<1x128xi32, #tpu.memory_space<vmem>>
      %dma_start3A_76 = tpu.memref_squeeze %dma_start3A_75 : memref<1x128xi32, #tpu.memory_space<vmem>> -> memref<128xi32, #tpu.memory_space<vmem>>
      %dma_start3A_77 = arith.constant 0 : i32
      %dma_start3A_78 = tpu.memref_slice %arg5[%dma_start3A_77] : memref<100000xf32, #tpu.memory_space<vmem_shared>> -> memref<100000xf32, #tpu.memory_space<vmem_shared>>
      tpu.enqueue_indirect_dma source(%dma_start3A_78 : memref<100000xf32, #tpu.memory_space<vmem_shared>>) target(%dma_start3A_73 : memref<128xf32, #tpu.memory_space<vmem>>) offsets(%dma_start3A_76 : memref<128xi32, #tpu.memory_space<vmem>>) semaphore(%arg8 : memref<!tpu.dma_semaphore, #tpu.memory_space<semaphore_mem>>)
      %add3A_79 = arith.constant 5 : i32
      %add3A_80 = arith.addi %mul3A_18, %add3A_79 : i32
      %add3A_81 = arith.constant 5 : i32
      %add3A_82 = arith.addi %mul3A_18, %add3A_81 : i32
      %dma_start3A_83 = arith.constant 0 : i32
      %dma_start3A_84 = tpu.memref_slice %arg7[%add3A_82, %dma_start3A_83] : memref<50x128xf32, #tpu.memory_space<vmem>> -> memref<1x128xf32, #tpu.memory_space<vmem>>
      %dma_start3A_85 = tpu.memref_squeeze %dma_start3A_84 : memref<1x128xf32, #tpu.memory_space<vmem>> -> memref<128xf32, #tpu.memory_space<vmem>>
      %dma_start3A_86 = arith.constant 0 : i32
      %dma_start3A_87 = tpu.memref_slice %arg6[%add3A_80, %dma_start3A_86] : memref<50x128xi32, #tpu.memory_space<vmem>> -> memref<1x128xi32, #tpu.memory_space<vmem>>
      %dma_start3A_88 = tpu.memref_squeeze %dma_start3A_87 : memref<1x128xi32, #tpu.memory_space<vmem>> -> memref<128xi32, #tpu.memory_space<vmem>>
      %dma_start3A_89 = arith.constant 0 : i32
      %dma_start3A_90 = tpu.memref_slice %arg5[%dma_start3A_89] : memref<100000xf32, #tpu.memory_space<vmem_shared>> -> memref<100000xf32, #tpu.memory_space<vmem_shared>>
      tpu.enqueue_indirect_dma source(%dma_start3A_90 : memref<100000xf32, #tpu.memory_space<vmem_shared>>) target(%dma_start3A_85 : memref<128xf32, #tpu.memory_space<vmem>>) offsets(%dma_start3A_88 : memref<128xi32, #tpu.memory_space<vmem>>) semaphore(%arg8 : memref<!tpu.dma_semaphore, #tpu.memory_space<semaphore_mem>>)
      %add3A_91 = arith.constant 6 : i32
      %add3A_92 = arith.addi %mul3A_18, %add3A_91 : i32
      %add3A_93 = arith.constant 6 : i32
      %add3A_94 = arith.addi %mul3A_18, %add3A_93 : i32
      %dma_start3A_95 = arith.constant 0 : i32
      %dma_start3A_96 = tpu.memref_slice %arg7[%add3A_94, %dma_start3A_95] : memref<50x128xf32, #tpu.memory_space<vmem>> -> memref<1x128xf32, #tpu.memory_space<vmem>>
      %dma_start3A_97 = tpu.memref_squeeze %dma_start3A_96 : memref<1x128xf32, #tpu.memory_space<vmem>> -> memref<128xf32, #tpu.memory_space<vmem>>
      %dma_start3A_98 = arith.constant 0 : i32
      %dma_start3A_99 = tpu.memref_slice %arg6[%add3A_92, %dma_start3A_98] : memref<50x128xi32, #tpu.memory_space<vmem>> -> memref<1x128xi32, #tpu.memory_space<vmem>>
      %dma_start3A_100 = tpu.memref_squeeze %dma_start3A_99 : memref<1x128xi32, #tpu.memory_space<vmem>> -> memref<128xi32, #tpu.memory_space<vmem>>
      %dma_start3A_101 = arith.constant 0 : i32
      %dma_start3A_102 = tpu.memref_slice %arg5[%dma_start3A_101] : memref<100000xf32, #tpu.memory_space<vmem_shared>> -> memref<100000xf32, #tpu.memory_space<vmem_shared>>
      tpu.enqueue_indirect_dma source(%dma_start3A_102 : memref<100000xf32, #tpu.memory_space<vmem_shared>>) target(%dma_start3A_97 : memref<128xf32, #tpu.memory_space<vmem>>) offsets(%dma_start3A_100 : memref<128xi32, #tpu.memory_space<vmem>>) semaphore(%arg8 : memref<!tpu.dma_semaphore, #tpu.memory_space<semaphore_mem>>)
      %add3A_103 = arith.constant 7 : i32
      %add3A_104 = arith.addi %mul3A_18, %add3A_103 : i32
      %add3A_105 = arith.constant 7 : i32
      %add3A_106 = arith.addi %mul3A_18, %add3A_105 : i32
      %dma_start3A_107 = arith.constant 0 : i32
      %dma_start3A_108 = tpu.memref_slice %arg7[%add3A_106, %dma_start3A_107] : memref<50x128xf32, #tpu.memory_space<vmem>> -> memref<1x128xf32, #tpu.memory_space<vmem>>
      %dma_start3A_109 = tpu.memref_squeeze %dma_start3A_108 : memref<1x128xf32, #tpu.memory_space<vmem>> -> memref<128xf32, #tpu.memory_space<vmem>>
      %dma_start3A_110 = arith.constant 0 : i32
      %dma_start3A_111 = tpu.memref_slice %arg6[%add3A_104, %dma_start3A_110] : memref<50x128xi32, #tpu.memory_space<vmem>> -> memref<1x128xi32, #tpu.memory_space<vmem>>
      %dma_start3A_112 = tpu.memref_squeeze %dma_start3A_111 : memref<1x128xi32, #tpu.memory_space<vmem>> -> memref<128xi32, #tpu.memory_space<vmem>>
      %dma_start3A_113 = arith.constant 0 : i32
      %dma_start3A_114 = tpu.memref_slice %arg5[%dma_start3A_113] : memref<100000xf32, #tpu.memory_space<vmem_shared>> -> memref<100000xf32, #tpu.memory_space<vmem_shared>>
      tpu.enqueue_indirect_dma source(%dma_start3A_114 : memref<100000xf32, #tpu.memory_space<vmem_shared>>) target(%dma_start3A_109 : memref<128xf32, #tpu.memory_space<vmem>>) offsets(%dma_start3A_112 : memref<128xi32, #tpu.memory_space<vmem>>) semaphore(%arg8 : memref<!tpu.dma_semaphore, #tpu.memory_space<semaphore_mem>>)
      %add3A_115 = arith.constant 8 : i32
      %add3A_116 = arith.addi %mul3A_18, %add3A_115 : i32
      %add3A_117 = arith.constant 8 : i32
      %add3A_118 = arith.addi %mul3A_18, %add3A_117 : i32
      %dma_start3A_119 = arith.constant 0 : i32
      %dma_start3A_120 = tpu.memref_slice %arg7[%add3A_118, %dma_start3A_119] : memref<50x128xf32, #tpu.memory_space<vmem>> -> memref<1x128xf32, #tpu.memory_space<vmem>>
      %dma_start3A_121 = tpu.memref_squeeze %dma_start3A_120 : memref<1x128xf32, #tpu.memory_space<vmem>> -> memref<128xf32, #tpu.memory_space<vmem>>
      %dma_start3A_122 = arith.constant 0 : i32
      %dma_start3A_123 = tpu.memref_slice %arg6[%add3A_116, %dma_start3A_122] : memref<50x128xi32, #tpu.memory_space<vmem>> -> memref<1x128xi32, #tpu.memory_space<vmem>>
      %dma_start3A_124 = tpu.memref_squeeze %dma_start3A_123 : memref<1x128xi32, #tpu.memory_space<vmem>> -> memref<128xi32, #tpu.memory_space<vmem>>
      %dma_start3A_125 = arith.constant 0 : i32
      %dma_start3A_126 = tpu.memref_slice %arg5[%dma_start3A_125] : memref<100000xf32, #tpu.memory_space<vmem_shared>> -> memref<100000xf32, #tpu.memory_space<vmem_shared>>
      tpu.enqueue_indirect_dma source(%dma_start3A_126 : memref<100000xf32, #tpu.memory_space<vmem_shared>>) target(%dma_start3A_121 : memref<128xf32, #tpu.memory_space<vmem>>) offsets(%dma_start3A_124 : memref<128xi32, #tpu.memory_space<vmem>>) semaphore(%arg8 : memref<!tpu.dma_semaphore, #tpu.memory_space<semaphore_mem>>)
      %add3A_127 = arith.constant 9 : i32
      %add3A_128 = arith.addi %mul3A_18, %add3A_127 : i32
      %add3A_129 = arith.constant 9 : i32
      %add3A_130 = arith.addi %mul3A_18, %add3A_129 : i32
      %dma_start3A_131 = arith.constant 0 : i32
      %dma_start3A_132 = tpu.memref_slice %arg7[%add3A_130, %dma_start3A_131] : memref<50x128xf32, #tpu.memory_space<vmem>> -> memref<1x128xf32, #tpu.memory_space<vmem>>
      %dma_start3A_133 = tpu.memref_squeeze %dma_start3A_132 : memref<1x128xf32, #tpu.memory_space<vmem>> -> memref<128xf32, #tpu.memory_space<vmem>>
      %dma_start3A_134 = arith.constant 0 : i32
      %dma_start3A_135 = tpu.memref_slice %arg6[%add3A_128, %dma_start3A_134] : memref<50x128xi32, #tpu.memory_space<vmem>> -> memref<1x128xi32, #tpu.memory_space<vmem>>
      %dma_start3A_136 = tpu.memref_squeeze %dma_start3A_135 : memref<1x128xi32, #tpu.memory_space<vmem>> -> memref<128xi32, #tpu.memory_space<vmem>>
      %dma_start3A_137 = arith.constant 0 : i32
      %dma_start3A_138 = tpu.memref_slice %arg5[%dma_start3A_137] : memref<100000xf32, #tpu.memory_space<vmem_shared>> -> memref<100000xf32, #tpu.memory_space<vmem_shared>>
      tpu.enqueue_indirect_dma source(%dma_start3A_138 : memref<100000xf32, #tpu.memory_space<vmem_shared>>) target(%dma_start3A_133 : memref<128xf32, #tpu.memory_space<vmem>>) offsets(%dma_start3A_136 : memref<128xi32, #tpu.memory_space<vmem>>) semaphore(%arg8 : memref<!tpu.dma_semaphore, #tpu.memory_space<semaphore_mem>>)
      %add3A_139 = arith.constant 10 : i32
      %add3A_140 = arith.addi %mul3A_18, %add3A_139 : i32
      %add3A_141 = arith.constant 10 : i32
      %add3A_142 = arith.addi %mul3A_18, %add3A_141 : i32
      %dma_start3A_143 = arith.constant 0 : i32
      %dma_start3A_144 = tpu.memref_slice %arg7[%add3A_142, %dma_start3A_143] : memref<50x128xf32, #tpu.memory_space<vmem>> -> memref<1x128xf32, #tpu.memory_space<vmem>>
      %dma_start3A_145 = tpu.memref_squeeze %dma_start3A_144 : memref<1x128xf32, #tpu.memory_space<vmem>> -> memref<128xf32, #tpu.memory_space<vmem>>
      %dma_start3A_146 = arith.constant 0 : i32
      %dma_start3A_147 = tpu.memref_slice %arg6[%add3A_140, %dma_start3A_146] : memref<50x128xi32, #tpu.memory_space<vmem>> -> memref<1x128xi32, #tpu.memory_space<vmem>>
      %dma_start3A_148 = tpu.memref_squeeze %dma_start3A_147 : memref<1x128xi32, #tpu.memory_space<vmem>> -> memref<128xi32, #tpu.memory_space<vmem>>
      %dma_start3A_149 = arith.constant 0 : i32
      %dma_start3A_150 = tpu.memref_slice %arg5[%dma_start3A_149] : memref<100000xf32, #tpu.memory_space<vmem_shared>> -> memref<100000xf32, #tpu.memory_space<vmem_shared>>
      tpu.enqueue_indirect_dma source(%dma_start3A_150 : memref<100000xf32, #tpu.memory_space<vmem_shared>>) target(%dma_start3A_145 : memref<128xf32, #tpu.memory_space<vmem>>) offsets(%dma_start3A_148 : memref<128xi32, #tpu.memory_space<vmem>>) semaphore(%arg8 : memref<!tpu.dma_semaphore, #tpu.memory_space<semaphore_mem>>)
      %add3A_151 = arith.constant 11 : i32
      %add3A_152 = arith.addi %mul3A_18, %add3A_151 : i32
      %add3A_153 = arith.constant 11 : i32
      %add3A_154 = arith.addi %mul3A_18, %add3A_153 : i32
      %dma_start3A_155 = arith.constant 0 : i32
      %dma_start3A_156 = tpu.memref_slice %arg7[%add3A_154, %dma_start3A_155] : memref<50x128xf32, #tpu.memory_space<vmem>> -> memref<1x128xf32, #tpu.memory_space<vmem>>
      %dma_start3A_157 = tpu.memref_squeeze %dma_start3A_156 : memref<1x128xf32, #tpu.memory_space<vmem>> -> memref<128xf32, #tpu.memory_space<vmem>>
      %dma_start3A_158 = arith.constant 0 : i32
      %dma_start3A_159 = tpu.memref_slice %arg6[%add3A_152, %dma_start3A_158] : memref<50x128xi32, #tpu.memory_space<vmem>> -> memref<1x128xi32, #tpu.memory_space<vmem>>
      %dma_start3A_160 = tpu.memref_squeeze %dma_start3A_159 : memref<1x128xi32, #tpu.memory_space<vmem>> -> memref<128xi32, #tpu.memory_space<vmem>>
      %dma_start3A_161 = arith.constant 0 : i32
      %dma_start3A_162 = tpu.memref_slice %arg5[%dma_start3A_161] : memref<100000xf32, #tpu.memory_space<vmem_shared>> -> memref<100000xf32, #tpu.memory_space<vmem_shared>>
      tpu.enqueue_indirect_dma source(%dma_start3A_162 : memref<100000xf32, #tpu.memory_space<vmem_shared>>) target(%dma_start3A_157 : memref<128xf32, #tpu.memory_space<vmem>>) offsets(%dma_start3A_160 : memref<128xi32, #tpu.memory_space<vmem>>) semaphore(%arg8 : memref<!tpu.dma_semaphore, #tpu.memory_space<semaphore_mem>>)
      %add3A_163 = arith.constant 12 : i32
      %add3A_164 = arith.addi %mul3A_18, %add3A_163 : i32
      %add3A_165 = arith.constant 12 : i32
      %add3A_166 = arith.addi %mul3A_18, %add3A_165 : i32
      %dma_start3A_167 = arith.constant 0 : i32
      %dma_start3A_168 = tpu.memref_slice %arg7[%add3A_166, %dma_start3A_167] : memref<50x128xf32, #tpu.memory_space<vmem>> -> memref<1x128xf32, #tpu.memory_space<vmem>>
      %dma_start3A_169 = tpu.memref_squeeze %dma_start3A_168 : memref<1x128xf32, #tpu.memory_space<vmem>> -> memref<128xf32, #tpu.memory_space<vmem>>
      %dma_start3A_170 = arith.constant 0 : i32
      %dma_start3A_171 = tpu.memref_slice %arg6[%add3A_164, %dma_start3A_170] : memref<50x128xi32, #tpu.memory_space<vmem>> -> memref<1x128xi32, #tpu.memory_space<vmem>>
      %dma_start3A_172 = tpu.memref_squeeze %dma_start3A_171 : memref<1x128xi32, #tpu.memory_space<vmem>> -> memref<128xi32, #tpu.memory_space<vmem>>
      %dma_start3A_173 = arith.constant 0 : i32
      %dma_start3A_174 = tpu.memref_slice %arg5[%dma_start3A_173] : memref<100000xf32, #tpu.memory_space<vmem_shared>> -> memref<100000xf32, #tpu.memory_space<vmem_shared>>
      tpu.enqueue_indirect_dma source(%dma_start3A_174 : memref<100000xf32, #tpu.memory_space<vmem_shared>>) target(%dma_start3A_169 : memref<128xf32, #tpu.memory_space<vmem>>) offsets(%dma_start3A_172 : memref<128xi32, #tpu.memory_space<vmem>>) semaphore(%arg8 : memref<!tpu.dma_semaphore, #tpu.memory_space<semaphore_mem>>)
      %add3A_175 = arith.constant 13 : i32
      %add3A_176 = arith.addi %mul3A_18, %add3A_175 : i32
      %add3A_177 = arith.constant 13 : i32
      %add3A_178 = arith.addi %mul3A_18, %add3A_177 : i32
      %dma_start3A_179 = arith.constant 0 : i32
      %dma_start3A_180 = tpu.memref_slice %arg7[%add3A_178, %dma_start3A_179] : memref<50x128xf32, #tpu.memory_space<vmem>> -> memref<1x128xf32, #tpu.memory_space<vmem>>
      %dma_start3A_181 = tpu.memref_squeeze %dma_start3A_180 : memref<1x128xf32, #tpu.memory_space<vmem>> -> memref<128xf32, #tpu.memory_space<vmem>>
      %dma_start3A_182 = arith.constant 0 : i32
      %dma_start3A_183 = tpu.memref_slice %arg6[%add3A_176, %dma_start3A_182] : memref<50x128xi32, #tpu.memory_space<vmem>> -> memref<1x128xi32, #tpu.memory_space<vmem>>
      %dma_start3A_184 = tpu.memref_squeeze %dma_start3A_183 : memref<1x128xi32, #tpu.memory_space<vmem>> -> memref<128xi32, #tpu.memory_space<vmem>>
      %dma_start3A_185 = arith.constant 0 : i32
      %dma_start3A_186 = tpu.memref_slice %arg5[%dma_start3A_185] : memref<100000xf32, #tpu.memory_space<vmem_shared>> -> memref<100000xf32, #tpu.memory_space<vmem_shared>>
      tpu.enqueue_indirect_dma source(%dma_start3A_186 : memref<100000xf32, #tpu.memory_space<vmem_shared>>) target(%dma_start3A_181 : memref<128xf32, #tpu.memory_space<vmem>>) offsets(%dma_start3A_184 : memref<128xi32, #tpu.memory_space<vmem>>) semaphore(%arg8 : memref<!tpu.dma_semaphore, #tpu.memory_space<semaphore_mem>>)
      %add3A_187 = arith.constant 14 : i32
      %add3A_188 = arith.addi %mul3A_18, %add3A_187 : i32
      %add3A_189 = arith.constant 14 : i32
      %add3A_190 = arith.addi %mul3A_18, %add3A_189 : i32
      %dma_start3A_191 = arith.constant 0 : i32
      %dma_start3A_192 = tpu.memref_slice %arg7[%add3A_190, %dma_start3A_191] : memref<50x128xf32, #tpu.memory_space<vmem>> -> memref<1x128xf32, #tpu.memory_space<vmem>>
      %dma_start3A_193 = tpu.memref_squeeze %dma_start3A_192 : memref<1x128xf32, #tpu.memory_space<vmem>> -> memref<128xf32, #tpu.memory_space<vmem>>
      %dma_start3A_194 = arith.constant 0 : i32
      %dma_start3A_195 = tpu.memref_slice %arg6[%add3A_188, %dma_start3A_194] : memref<50x128xi32, #tpu.memory_space<vmem>> -> memref<1x128xi32, #tpu.memory_space<vmem>>
      %dma_start3A_196 = tpu.memref_squeeze %dma_start3A_195 : memref<1x128xi32, #tpu.memory_space<vmem>> -> memref<128xi32, #tpu.memory_space<vmem>>
      %dma_start3A_197 = arith.constant 0 : i32
      %dma_start3A_198 = tpu.memref_slice %arg5[%dma_start3A_197] : memref<100000xf32, #tpu.memory_space<vmem_shared>> -> memref<100000xf32, #tpu.memory_space<vmem_shared>>
      tpu.enqueue_indirect_dma source(%dma_start3A_198 : memref<100000xf32, #tpu.memory_space<vmem_shared>>) target(%dma_start3A_193 : memref<128xf32, #tpu.memory_space<vmem>>) offsets(%dma_start3A_196 : memref<128xi32, #tpu.memory_space<vmem>>) semaphore(%arg8 : memref<!tpu.dma_semaphore, #tpu.memory_space<semaphore_mem>>)
      %add3A_199 = arith.constant 15 : i32
      %add3A_200 = arith.addi %mul3A_18, %add3A_199 : i32
      %add3A_201 = arith.constant 15 : i32
      %add3A_202 = arith.addi %mul3A_18, %add3A_201 : i32
      %dma_start3A_203 = arith.constant 0 : i32
      %dma_start3A_204 = tpu.memref_slice %arg7[%add3A_202, %dma_start3A_203] : memref<50x128xf32, #tpu.memory_space<vmem>> -> memref<1x128xf32, #tpu.memory_space<vmem>>
      %dma_start3A_205 = tpu.memref_squeeze %dma_start3A_204 : memref<1x128xf32, #tpu.memory_space<vmem>> -> memref<128xf32, #tpu.memory_space<vmem>>
      %dma_start3A_206 = arith.constant 0 : i32
      %dma_start3A_207 = tpu.memref_slice %arg6[%add3A_200, %dma_start3A_206] : memref<50x128xi32, #tpu.memory_space<vmem>> -> memref<1x128xi32, #tpu.memory_space<vmem>>
      %dma_start3A_208 = tpu.memref_squeeze %dma_start3A_207 : memref<1x128xi32, #tpu.memory_space<vmem>> -> memref<128xi32, #tpu.memory_space<vmem>>
      %dma_start3A_209 = arith.constant 0 : i32
      %dma_start3A_210 = tpu.memref_slice %arg5[%dma_start3A_209] : memref<100000xf32, #tpu.memory_space<vmem_shared>> -> memref<100000xf32, #tpu.memory_space<vmem_shared>>
      tpu.enqueue_indirect_dma source(%dma_start3A_210 : memref<100000xf32, #tpu.memory_space<vmem_shared>>) target(%dma_start3A_205 : memref<128xf32, #tpu.memory_space<vmem>>) offsets(%dma_start3A_208 : memref<128xi32, #tpu.memory_space<vmem>>) semaphore(%arg8 : memref<!tpu.dma_semaphore, #tpu.memory_space<semaphore_mem>>)
      %add3A_211 = arith.constant 16 : i32
      %add3A_212 = arith.addi %mul3A_18, %add3A_211 : i32
      %add3A_213 = arith.constant 16 : i32
      %add3A_214 = arith.addi %mul3A_18, %add3A_213 : i32
      %dma_start3A_215 = arith.constant 0 : i32
      %dma_start3A_216 = tpu.memref_slice %arg7[%add3A_214, %dma_start3A_215] : memref<50x128xf32, #tpu.memory_space<vmem>> -> memref<1x128xf32, #tpu.memory_space<vmem>>
      %dma_start3A_217 = tpu.memref_squeeze %dma_start3A_216 : memref<1x128xf32, #tpu.memory_space<vmem>> -> memref<128xf32, #tpu.memory_space<vmem>>
      %dma_start3A_218 = arith.constant 0 : i32
      %dma_start3A_219 = tpu.memref_slice %arg6[%add3A_212, %dma_start3A_218] : memref<50x128xi32, #tpu.memory_space<vmem>> -> memref<1x128xi32, #tpu.memory_space<vmem>>
      %dma_start3A_220 = tpu.memref_squeeze %dma_start3A_219 : memref<1x128xi32, #tpu.memory_space<vmem>> -> memref<128xi32, #tpu.memory_space<vmem>>
      %dma_start3A_221 = arith.constant 0 : i32
      %dma_start3A_222 = tpu.memref_slice %arg5[%dma_start3A_221] : memref<100000xf32, #tpu.memory_space<vmem_shared>> -> memref<100000xf32, #tpu.memory_space<vmem_shared>>
      tpu.enqueue_indirect_dma source(%dma_start3A_222 : memref<100000xf32, #tpu.memory_space<vmem_shared>>) target(%dma_start3A_217 : memref<128xf32, #tpu.memory_space<vmem>>) offsets(%dma_start3A_220 : memref<128xi32, #tpu.memory_space<vmem>>) semaphore(%arg8 : memref<!tpu.dma_semaphore, #tpu.memory_space<semaphore_mem>>)
      %add3A_223 = arith.constant 17 : i32
      %add3A_224 = arith.addi %mul3A_18, %add3A_223 : i32
      %add3A_225 = arith.constant 17 : i32
      %add3A_226 = arith.addi %mul3A_18, %add3A_225 : i32
      %dma_start3A_227 = arith.constant 0 : i32
      %dma_start3A_228 = tpu.memref_slice %arg7[%add3A_226, %dma_start3A_227] : memref<50x128xf32, #tpu.memory_space<vmem>> -> memref<1x128xf32, #tpu.memory_space<vmem>>
      %dma_start3A_229 = tpu.memref_squeeze %dma_start3A_228 : memref<1x128xf32, #tpu.memory_space<vmem>> -> memref<128xf32, #tpu.memory_space<vmem>>
      %dma_start3A_230 = arith.constant 0 : i32
      %dma_start3A_231 = tpu.memref_slice %arg6[%add3A_224, %dma_start3A_230] : memref<50x128xi32, #tpu.memory_space<vmem>> -> memref<1x128xi32, #tpu.memory_space<vmem>>
      %dma_start3A_232 = tpu.memref_squeeze %dma_start3A_231 : memref<1x128xi32, #tpu.memory_space<vmem>> -> memref<128xi32, #tpu.memory_space<vmem>>
      %dma_start3A_233 = arith.constant 0 : i32
      %dma_start3A_234 = tpu.memref_slice %arg5[%dma_start3A_233] : memref<100000xf32, #tpu.memory_space<vmem_shared>> -> memref<100000xf32, #tpu.memory_space<vmem_shared>>
      tpu.enqueue_indirect_dma source(%dma_start3A_234 : memref<100000xf32, #tpu.memory_space<vmem_shared>>) target(%dma_start3A_229 : memref<128xf32, #tpu.memory_space<vmem>>) offsets(%dma_start3A_232 : memref<128xi32, #tpu.memory_space<vmem>>) semaphore(%arg8 : memref<!tpu.dma_semaphore, #tpu.memory_space<semaphore_mem>>)
      %add3A_235 = arith.constant 18 : i32
      %add3A_236 = arith.addi %mul3A_18, %add3A_235 : i32
      %add3A_237 = arith.constant 18 : i32
      %add3A_238 = arith.addi %mul3A_18, %add3A_237 : i32
      %dma_start3A_239 = arith.constant 0 : i32
      %dma_start3A_240 = tpu.memref_slice %arg7[%add3A_238, %dma_start3A_239] : memref<50x128xf32, #tpu.memory_space<vmem>> -> memref<1x128xf32, #tpu.memory_space<vmem>>
      %dma_start3A_241 = tpu.memref_squeeze %dma_start3A_240 : memref<1x128xf32, #tpu.memory_space<vmem>> -> memref<128xf32, #tpu.memory_space<vmem>>
      %dma_start3A_242 = arith.constant 0 : i32
      %dma_start3A_243 = tpu.memref_slice %arg6[%add3A_236, %dma_start3A_242] : memref<50x128xi32, #tpu.memory_space<vmem>> -> memref<1x128xi32, #tpu.memory_space<vmem>>
      %dma_start3A_244 = tpu.memref_squeeze %dma_start3A_243 : memref<1x128xi32, #tpu.memory_space<vmem>> -> memref<128xi32, #tpu.memory_space<vmem>>
      %dma_start3A_245 = arith.constant 0 : i32
      %dma_start3A_246 = tpu.memref_slice %arg5[%dma_start3A_245] : memref<100000xf32, #tpu.memory_space<vmem_shared>> -> memref<100000xf32, #tpu.memory_space<vmem_shared>>
      tpu.enqueue_indirect_dma source(%dma_start3A_246 : memref<100000xf32, #tpu.memory_space<vmem_shared>>) target(%dma_start3A_241 : memref<128xf32, #tpu.memory_space<vmem>>) offsets(%dma_start3A_244 : memref<128xi32, #tpu.memory_space<vmem>>) semaphore(%arg8 : memref<!tpu.dma_semaphore, #tpu.memory_space<semaphore_mem>>)
      %add3A_247 = arith.constant 19 : i32
      %add3A_248 = arith.addi %mul3A_18, %add3A_247 : i32
      %add3A_249 = arith.constant 19 : i32
      %add3A_250 = arith.addi %mul3A_18, %add3A_249 : i32
      %dma_start3A_251 = arith.constant 0 : i32
      %dma_start3A_252 = tpu.memref_slice %arg7[%add3A_250, %dma_start3A_251] : memref<50x128xf32, #tpu.memory_space<vmem>> -> memref<1x128xf32, #tpu.memory_space<vmem>>
      %dma_start3A_253 = tpu.memref_squeeze %dma_start3A_252 : memref<1x128xf32, #tpu.memory_space<vmem>> -> memref<128xf32, #tpu.memory_space<vmem>>
      %dma_start3A_254 = arith.constant 0 : i32
      %dma_start3A_255 = tpu.memref_slice %arg6[%add3A_248, %dma_start3A_254] : memref<50x128xi32, #tpu.memory_space<vmem>> -> memref<1x128xi32, #tpu.memory_space<vmem>>
      %dma_start3A_256 = tpu.memref_squeeze %dma_start3A_255 : memref<1x128xi32, #tpu.memory_space<vmem>> -> memref<128xi32, #tpu.memory_space<vmem>>
      %dma_start3A_257 = arith.constant 0 : i32
      %dma_start3A_258 = tpu.memref_slice %arg5[%dma_start3A_257] : memref<100000xf32, #tpu.memory_space<vmem_shared>> -> memref<100000xf32, #tpu.memory_space<vmem_shared>>
      tpu.enqueue_indirect_dma source(%dma_start3A_258 : memref<100000xf32, #tpu.memory_space<vmem_shared>>) target(%dma_start3A_253 : memref<128xf32, #tpu.memory_space<vmem>>) offsets(%dma_start3A_256 : memref<128xi32, #tpu.memory_space<vmem>>) semaphore(%arg8 : memref<!tpu.dma_semaphore, #tpu.memory_space<semaphore_mem>>)
      %add3A_259 = arith.constant 20 : i32
      %add3A_260 = arith.addi %mul3A_18, %add3A_259 : i32
      %add3A_261 = arith.constant 20 : i32
      %add3A_262 = arith.addi %mul3A_18, %add3A_261 : i32
      %dma_start3A_263 = arith.constant 0 : i32
      %dma_start3A_264 = tpu.memref_slice %arg7[%add3A_262, %dma_start3A_263] : memref<50x128xf32, #tpu.memory_space<vmem>> -> memref<1x128xf32, #tpu.memory_space<vmem>>
      %dma_start3A_265 = tpu.memref_squeeze %dma_start3A_264 : memref<1x128xf32, #tpu.memory_space<vmem>> -> memref<128xf32, #tpu.memory_space<vmem>>
      %dma_start3A_266 = arith.constant 0 : i32
      %dma_start3A_267 = tpu.memref_slice %arg6[%add3A_260, %dma_start3A_266] : memref<50x128xi32, #tpu.memory_space<vmem>> -> memref<1x128xi32, #tpu.memory_space<vmem>>
      %dma_start3A_268 = tpu.memref_squeeze %dma_start3A_267 : memref<1x128xi32, #tpu.memory_space<vmem>> -> memref<128xi32, #tpu.memory_space<vmem>>
      %dma_start3A_269 = arith.constant 0 : i32
      %dma_start3A_270 = tpu.memref_slice %arg5[%dma_start3A_269] : memref<100000xf32, #tpu.memory_space<vmem_shared>> -> memref<100000xf32, #tpu.memory_space<vmem_shared>>
      tpu.enqueue_indirect_dma source(%dma_start3A_270 : memref<100000xf32, #tpu.memory_space<vmem_shared>>) target(%dma_start3A_265 : memref<128xf32, #tpu.memory_space<vmem>>) offsets(%dma_start3A_268 : memref<128xi32, #tpu.memory_space<vmem>>) semaphore(%arg8 : memref<!tpu.dma_semaphore, #tpu.memory_space<semaphore_mem>>)
      %add3A_271 = arith.constant 21 : i32
      %add3A_272 = arith.addi %mul3A_18, %add3A_271 : i32
      %add3A_273 = arith.constant 21 : i32
      %add3A_274 = arith.addi %mul3A_18, %add3A_273 : i32
      %dma_start3A_275 = arith.constant 0 : i32
      %dma_start3A_276 = tpu.memref_slice %arg7[%add3A_274, %dma_start3A_275] : memref<50x128xf32, #tpu.memory_space<vmem>> -> memref<1x128xf32, #tpu.memory_space<vmem>>
      %dma_start3A_277 = tpu.memref_squeeze %dma_start3A_276 : memref<1x128xf32, #tpu.memory_space<vmem>> -> memref<128xf32, #tpu.memory_space<vmem>>
      %dma_start3A_278 = arith.constant 0 : i32
      %dma_start3A_279 = tpu.memref_slice %arg6[%add3A_272, %dma_start3A_278] : memref<50x128xi32, #tpu.memory_space<vmem>> -> memref<1x128xi32, #tpu.memory_space<vmem>>
      %dma_start3A_280 = tpu.memref_squeeze %dma_start3A_279 : memref<1x128xi32, #tpu.memory_space<vmem>> -> memref<128xi32, #tpu.memory_space<vmem>>
      %dma_start3A_281 = arith.constant 0 : i32
      %dma_start3A_282 = tpu.memref_slice %arg5[%dma_start3A_281] : memref<100000xf32, #tpu.memory_space<vmem_shared>> -> memref<100000xf32, #tpu.memory_space<vmem_shared>>
      tpu.enqueue_indirect_dma source(%dma_start3A_282 : memref<100000xf32, #tpu.memory_space<vmem_shared>>) target(%dma_start3A_277 : memref<128xf32, #tpu.memory_space<vmem>>) offsets(%dma_start3A_280 : memref<128xi32, #tpu.memory_space<vmem>>) semaphore(%arg8 : memref<!tpu.dma_semaphore, #tpu.memory_space<semaphore_mem>>)
      %add3A_283 = arith.constant 22 : i32
      %add3A_284 = arith.addi %mul3A_18, %add3A_283 : i32
      %add3A_285 = arith.constant 22 : i32
      %add3A_286 = arith.addi %mul3A_18, %add3A_285 : i32
      %dma_start3A_287 = arith.constant 0 : i32
      %dma_start3A_288 = tpu.memref_slice %arg7[%add3A_286, %dma_start3A_287] : memref<50x128xf32, #tpu.memory_space<vmem>> -> memref<1x128xf32, #tpu.memory_space<vmem>>
      %dma_start3A_289 = tpu.memref_squeeze %dma_start3A_288 : memref<1x128xf32, #tpu.memory_space<vmem>> -> memref<128xf32, #tpu.memory_space<vmem>>
      %dma_start3A_290 = arith.constant 0 : i32
      %dma_start3A_291 = tpu.memref_slice %arg6[%add3A_284, %dma_start3A_290] : memref<50x128xi32, #tpu.memory_space<vmem>> -> memref<1x128xi32, #tpu.memory_space<vmem>>
      %dma_start3A_292 = tpu.memref_squeeze %dma_start3A_291 : memref<1x128xi32, #tpu.memory_space<vmem>> -> memref<128xi32, #tpu.memory_space<vmem>>
      %dma_start3A_293 = arith.constant 0 : i32
      %dma_start3A_294 = tpu.memref_slice %arg5[%dma_start3A_293] : memref<100000xf32, #tpu.memory_space<vmem_shared>> -> memref<100000xf32, #tpu.memory_space<vmem_shared>>
      tpu.enqueue_indirect_dma source(%dma_start3A_294 : memref<100000xf32, #tpu.memory_space<vmem_shared>>) target(%dma_start3A_289 : memref<128xf32, #tpu.memory_space<vmem>>) offsets(%dma_start3A_292 : memref<128xi32, #tpu.memory_space<vmem>>) semaphore(%arg8 : memref<!tpu.dma_semaphore, #tpu.memory_space<semaphore_mem>>)
      %add3A_295 = arith.constant 23 : i32
      %add3A_296 = arith.addi %mul3A_18, %add3A_295 : i32
      %add3A_297 = arith.constant 23 : i32
      %add3A_298 = arith.addi %mul3A_18, %add3A_297 : i32
      %dma_start3A_299 = arith.constant 0 : i32
      %dma_start3A_300 = tpu.memref_slice %arg7[%add3A_298, %dma_start3A_299] : memref<50x128xf32, #tpu.memory_space<vmem>> -> memref<1x128xf32, #tpu.memory_space<vmem>>
      %dma_start3A_301 = tpu.memref_squeeze %dma_start3A_300 : memref<1x128xf32, #tpu.memory_space<vmem>> -> memref<128xf32, #tpu.memory_space<vmem>>
      %dma_start3A_302 = arith.constant 0 : i32
      %dma_start3A_303 = tpu.memref_slice %arg6[%add3A_296, %dma_start3A_302] : memref<50x128xi32, #tpu.memory_space<vmem>> -> memref<1x128xi32, #tpu.memory_space<vmem>>
      %dma_start3A_304 = tpu.memref_squeeze %dma_start3A_303 : memref<1x128xi32, #tpu.memory_space<vmem>> -> memref<128xi32, #tpu.memory_space<vmem>>
      %dma_start3A_305 = arith.constant 0 : i32
      %dma_start3A_306 = tpu.memref_slice %arg5[%dma_start3A_305] : memref<100000xf32, #tpu.memory_space<vmem_shared>> -> memref<100000xf32, #tpu.memory_space<vmem_shared>>
      tpu.enqueue_indirect_dma source(%dma_start3A_306 : memref<100000xf32, #tpu.memory_space<vmem_shared>>) target(%dma_start3A_301 : memref<128xf32, #tpu.memory_space<vmem>>) offsets(%dma_start3A_304 : memref<128xi32, #tpu.memory_space<vmem>>) semaphore(%arg8 : memref<!tpu.dma_semaphore, #tpu.memory_space<semaphore_mem>>)
      %add3A_307 = arith.constant 24 : i32
      %add3A_308 = arith.addi %mul3A_18, %add3A_307 : i32
      %add3A_309 = arith.constant 24 : i32
      %add3A_310 = arith.addi %mul3A_18, %add3A_309 : i32
      %dma_start3A_311 = arith.constant 0 : i32
      %dma_start3A_312 = tpu.memref_slice %arg7[%add3A_310, %dma_start3A_311] : memref<50x128xf32, #tpu.memory_space<vmem>> -> memref<1x128xf32, #tpu.memory_space<vmem>>
      %dma_start3A_313 = tpu.memref_squeeze %dma_start3A_312 : memref<1x128xf32, #tpu.memory_space<vmem>> -> memref<128xf32, #tpu.memory_space<vmem>>
      %dma_start3A_314 = arith.constant 0 : i32
      %dma_start3A_315 = tpu.memref_slice %arg6[%add3A_308, %dma_start3A_314] : memref<50x128xi32, #tpu.memory_space<vmem>> -> memref<1x128xi32, #tpu.memory_space<vmem>>
      %dma_start3A_316 = tpu.memref_squeeze %dma_start3A_315 : memref<1x128xi32, #tpu.memory_space<vmem>> -> memref<128xi32, #tpu.memory_space<vmem>>
      %dma_start3A_317 = arith.constant 0 : i32
      %dma_start3A_318 = tpu.memref_slice %arg5[%dma_start3A_317] : memref<100000xf32, #tpu.memory_space<vmem_shared>> -> memref<100000xf32, #tpu.memory_space<vmem_shared>>
      tpu.enqueue_indirect_dma source(%dma_start3A_318 : memref<100000xf32, #tpu.memory_space<vmem_shared>>) target(%dma_start3A_313 : memref<128xf32, #tpu.memory_space<vmem>>) offsets(%dma_start3A_316 : memref<128xi32, #tpu.memory_space<vmem>>) semaphore(%arg8 : memref<!tpu.dma_semaphore, #tpu.memory_space<semaphore_mem>>)
      %dma_wait3A_319 = arith.constant 0 : i32
      %dma_wait3A_320 = tpu.memref_slice %arg7[%add3A_22, %dma_wait3A_319] : memref<50x128xf32, #tpu.memory_space<vmem>> -> memref<1x128xf32, #tpu.memory_space<vmem>>
      %dma_wait3A_321 = tpu.memref_squeeze %dma_wait3A_320 : memref<1x128xf32, #tpu.memory_space<vmem>> -> memref<128xf32, #tpu.memory_space<vmem>>
      %dma_wait3A_322 = arith.constant 0 : i32
      %dma_wait3A_323 = tpu.memref_slice %arg6[%add3A_20, %dma_wait3A_322] : memref<50x128xi32, #tpu.memory_space<vmem>> -> memref<1x128xi32, #tpu.memory_space<vmem>>
      %dma_wait3A_324 = tpu.memref_squeeze %dma_wait3A_323 : memref<1x128xi32, #tpu.memory_space<vmem>> -> memref<128xi32, #tpu.memory_space<vmem>>
      %dma_wait3A_325 = arith.constant 0 : i32
      %dma_wait3A_326 = tpu.memref_slice %arg5[%dma_wait3A_325] : memref<100000xf32, #tpu.memory_space<vmem_shared>> -> memref<100000xf32, #tpu.memory_space<vmem_shared>>
      tpu.wait_indirect_dma semaphore(%arg8 : memref<!tpu.dma_semaphore, #tpu.memory_space<semaphore_mem>>) src(%dma_wait3A_326 : memref<100000xf32, #tpu.memory_space<vmem_shared>>) dst(%dma_wait3A_321 : memref<128xf32, #tpu.memory_space<vmem>>)
      %dma_wait3A_327 = arith.constant 0 : i32
      %dma_wait3A_328 = tpu.memref_slice %arg7[%add3A_34, %dma_wait3A_327] : memref<50x128xf32, #tpu.memory_space<vmem>> -> memref<1x128xf32, #tpu.memory_space<vmem>>
      %dma_wait3A_329 = tpu.memref_squeeze %dma_wait3A_328 : memref<1x128xf32, #tpu.memory_space<vmem>> -> memref<128xf32, #tpu.memory_space<vmem>>
      %dma_wait3A_330 = arith.constant 0 : i32
      %dma_wait3A_331 = tpu.memref_slice %arg6[%add3A_32, %dma_wait3A_330] : memref<50x128xi32, #tpu.memory_space<vmem>> -> memref<1x128xi32, #tpu.memory_space<vmem>>
      %dma_wait3A_332 = tpu.memref_squeeze %dma_wait3A_331 : memref<1x128xi32, #tpu.memory_space<vmem>> -> memref<128xi32, #tpu.memory_space<vmem>>
      %dma_wait3A_333 = arith.constant 0 : i32
      %dma_wait3A_334 = tpu.memref_slice %arg5[%dma_wait3A_333] : memref<100000xf32, #tpu.memory_space<vmem_shared>> -> memref<100000xf32, #tpu.memory_space<vmem_shared>>
      tpu.wait_indirect_dma semaphore(%arg8 : memref<!tpu.dma_semaphore, #tpu.memory_space<semaphore_mem>>) src(%dma_wait3A_334 : memref<100000xf32, #tpu.memory_space<vmem_shared>>) dst(%dma_wait3A_329 : memref<128xf32, #tpu.memory_space<vmem>>)
      %dma_wait3A_335 = arith.constant 0 : i32
      %dma_wait3A_336 = tpu.memref_slice %arg7[%add3A_46, %dma_wait3A_335] : memref<50x128xf32, #tpu.memory_space<vmem>> -> memref<1x128xf32, #tpu.memory_space<vmem>>
      %dma_wait3A_337 = tpu.memref_squeeze %dma_wait3A_336 : memref<1x128xf32, #tpu.memory_space<vmem>> -> memref<128xf32, #tpu.memory_space<vmem>>
      %dma_wait3A_338 = arith.constant 0 : i32
      %dma_wait3A_339 = tpu.memref_slice %arg6[%add3A_44, %dma_wait3A_338] : memref<50x128xi32, #tpu.memory_space<vmem>> -> memref<1x128xi32, #tpu.memory_space<vmem>>
      %dma_wait3A_340 = tpu.memref_squeeze %dma_wait3A_339 : memref<1x128xi32, #tpu.memory_space<vmem>> -> memref<128xi32, #tpu.memory_space<vmem>>
      %dma_wait3A_341 = arith.constant 0 : i32
      %dma_wait3A_342 = tpu.memref_slice %arg5[%dma_wait3A_341] : memref<100000xf32, #tpu.memory_space<vmem_shared>> -> memref<100000xf32, #tpu.memory_space<vmem_shared>>
      tpu.wait_indirect_dma semaphore(%arg8 : memref<!tpu.dma_semaphore, #tpu.memory_space<semaphore_mem>>) src(%dma_wait3A_342 : memref<100000xf32, #tpu.memory_space<vmem_shared>>) dst(%dma_wait3A_337 : memref<128xf32, #tpu.memory_space<vmem>>)
      %dma_wait3A_343 = arith.constant 0 : i32
      %dma_wait3A_344 = tpu.memref_slice %arg7[%add3A_58, %dma_wait3A_343] : memref<50x128xf32, #tpu.memory_space<vmem>> -> memref<1x128xf32, #tpu.memory_space<vmem>>
      %dma_wait3A_345 = tpu.memref_squeeze %dma_wait3A_344 : memref<1x128xf32, #tpu.memory_space<vmem>> -> memref<128xf32, #tpu.memory_space<vmem>>
      %dma_wait3A_346 = arith.constant 0 : i32
      %dma_wait3A_347 = tpu.memref_slice %arg6[%add3A_56, %dma_wait3A_346] : memref<50x128xi32, #tpu.memory_space<vmem>> -> memref<1x128xi32, #tpu.memory_space<vmem>>
      %dma_wait3A_348 = tpu.memref_squeeze %dma_wait3A_347 : memref<1x128xi32, #tpu.memory_space<vmem>> -> memref<128xi32, #tpu.memory_space<vmem>>
      %dma_wait3A_349 = arith.constant 0 : i32
      %dma_wait3A_350 = tpu.memref_slice %arg5[%dma_wait3A_349] : memref<100000xf32, #tpu.memory_space<vmem_shared>> -> memref<100000xf32, #tpu.memory_space<vmem_shared>>
      tpu.wait_indirect_dma semaphore(%arg8 : memref<!tpu.dma_semaphore, #tpu.memory_space<semaphore_mem>>) src(%dma_wait3A_350 : memref<100000xf32, #tpu.memory_space<vmem_shared>>) dst(%dma_wait3A_345 : memref<128xf32, #tpu.memory_space<vmem>>)
      %dma_wait3A_351 = arith.constant 0 : i32
      %dma_wait3A_352 = tpu.memref_slice %arg7[%add3A_70, %dma_wait3A_351] : memref<50x128xf32, #tpu.memory_space<vmem>> -> memref<1x128xf32, #tpu.memory_space<vmem>>
      %dma_wait3A_353 = tpu.memref_squeeze %dma_wait3A_352 : memref<1x128xf32, #tpu.memory_space<vmem>> -> memref<128xf32, #tpu.memory_space<vmem>>
      %dma_wait3A_354 = arith.constant 0 : i32
      %dma_wait3A_355 = tpu.memref_slice %arg6[%add3A_68, %dma_wait3A_354] : memref<50x128xi32, #tpu.memory_space<vmem>> -> memref<1x128xi32, #tpu.memory_space<vmem>>
      %dma_wait3A_356 = tpu.memref_squeeze %dma_wait3A_355 : memref<1x128xi32, #tpu.memory_space<vmem>> -> memref<128xi32, #tpu.memory_space<vmem>>
      %dma_wait3A_357 = arith.constant 0 : i32
      %dma_wait3A_358 = tpu.memref_slice %arg5[%dma_wait3A_357] : memref<100000xf32, #tpu.memory_space<vmem_shared>> -> memref<100000xf32, #tpu.memory_space<vmem_shared>>
      tpu.wait_indirect_dma semaphore(%arg8 : memref<!tpu.dma_semaphore, #tpu.memory_space<semaphore_mem>>) src(%dma_wait3A_358 : memref<100000xf32, #tpu.memory_space<vmem_shared>>) dst(%dma_wait3A_353 : memref<128xf32, #tpu.memory_space<vmem>>)
      %dma_wait3A_359 = arith.constant 0 : i32
      %dma_wait3A_360 = tpu.memref_slice %arg7[%add3A_82, %dma_wait3A_359] : memref<50x128xf32, #tpu.memory_space<vmem>> -> memref<1x128xf32, #tpu.memory_space<vmem>>
      %dma_wait3A_361 = tpu.memref_squeeze %dma_wait3A_360 : memref<1x128xf32, #tpu.memory_space<vmem>> -> memref<128xf32, #tpu.memory_space<vmem>>
      %dma_wait3A_362 = arith.constant 0 : i32
      %dma_wait3A_363 = tpu.memref_slice %arg6[%add3A_80, %dma_wait3A_362] : memref<50x128xi32, #tpu.memory_space<vmem>> -> memref<1x128xi32, #tpu.memory_space<vmem>>
      %dma_wait3A_364 = tpu.memref_squeeze %dma_wait3A_363 : memref<1x128xi32, #tpu.memory_space<vmem>> -> memref<128xi32, #tpu.memory_space<vmem>>
      %dma_wait3A_365 = arith.constant 0 : i32
      %dma_wait3A_366 = tpu.memref_slice %arg5[%dma_wait3A_365] : memref<100000xf32, #tpu.memory_space<vmem_shared>> -> memref<100000xf32, #tpu.memory_space<vmem_shared>>
      tpu.wait_indirect_dma semaphore(%arg8 : memref<!tpu.dma_semaphore, #tpu.memory_space<semaphore_mem>>) src(%dma_wait3A_366 : memref<100000xf32, #tpu.memory_space<vmem_shared>>) dst(%dma_wait3A_361 : memref<128xf32, #tpu.memory_space<vmem>>)
      %dma_wait3A_367 = arith.constant 0 : i32
      %dma_wait3A_368 = tpu.memref_slice %arg7[%add3A_94, %dma_wait3A_367] : memref<50x128xf32, #tpu.memory_space<vmem>> -> memref<1x128xf32, #tpu.memory_space<vmem>>
      %dma_wait3A_369 = tpu.memref_squeeze %dma_wait3A_368 : memref<1x128xf32, #tpu.memory_space<vmem>> -> memref<128xf32, #tpu.memory_space<vmem>>
      %dma_wait3A_370 = arith.constant 0 : i32
      %dma_wait3A_371 = tpu.memref_slice %arg6[%add3A_92, %dma_wait3A_370] : memref<50x128xi32, #tpu.memory_space<vmem>> -> memref<1x128xi32, #tpu.memory_space<vmem>>
      %dma_wait3A_372 = tpu.memref_squeeze %dma_wait3A_371 : memref<1x128xi32, #tpu.memory_space<vmem>> -> memref<128xi32, #tpu.memory_space<vmem>>
      %dma_wait3A_373 = arith.constant 0 : i32
      %dma_wait3A_374 = tpu.memref_slice %arg5[%dma_wait3A_373] : memref<100000xf32, #tpu.memory_space<vmem_shared>> -> memref<100000xf32, #tpu.memory_space<vmem_shared>>
      tpu.wait_indirect_dma semaphore(%arg8 : memref<!tpu.dma_semaphore, #tpu.memory_space<semaphore_mem>>) src(%dma_wait3A_374 : memref<100000xf32, #tpu.memory_space<vmem_shared>>) dst(%dma_wait3A_369 : memref<128xf32, #tpu.memory_space<vmem>>)
      %dma_wait3A_375 = arith.constant 0 : i32
      %dma_wait3A_376 = tpu.memref_slice %arg7[%add3A_106, %dma_wait3A_375] : memref<50x128xf32, #tpu.memory_space<vmem>> -> memref<1x128xf32, #tpu.memory_space<vmem>>
      %dma_wait3A_377 = tpu.memref_squeeze %dma_wait3A_376 : memref<1x128xf32, #tpu.memory_space<vmem>> -> memref<128xf32, #tpu.memory_space<vmem>>
      %dma_wait3A_378 = arith.constant 0 : i32
      %dma_wait3A_379 = tpu.memref_slice %arg6[%add3A_104, %dma_wait3A_378] : memref<50x128xi32, #tpu.memory_space<vmem>> -> memref<1x128xi32, #tpu.memory_space<vmem>>
      %dma_wait3A_380 = tpu.memref_squeeze %dma_wait3A_379 : memref<1x128xi32, #tpu.memory_space<vmem>> -> memref<128xi32, #tpu.memory_space<vmem>>
      %dma_wait3A_381 = arith.constant 0 : i32
      %dma_wait3A_382 = tpu.memref_slice %arg5[%dma_wait3A_381] : memref<100000xf32, #tpu.memory_space<vmem_shared>> -> memref<100000xf32, #tpu.memory_space<vmem_shared>>
      tpu.wait_indirect_dma semaphore(%arg8 : memref<!tpu.dma_semaphore, #tpu.memory_space<semaphore_mem>>) src(%dma_wait3A_382 : memref<100000xf32, #tpu.memory_space<vmem_shared>>) dst(%dma_wait3A_377 : memref<128xf32, #tpu.memory_space<vmem>>)
      %dma_wait3A_383 = arith.constant 0 : i32
      %dma_wait3A_384 = tpu.memref_slice %arg7[%add3A_118, %dma_wait3A_383] : memref<50x128xf32, #tpu.memory_space<vmem>> -> memref<1x128xf32, #tpu.memory_space<vmem>>
      %dma_wait3A_385 = tpu.memref_squeeze %dma_wait3A_384 : memref<1x128xf32, #tpu.memory_space<vmem>> -> memref<128xf32, #tpu.memory_space<vmem>>
      %dma_wait3A_386 = arith.constant 0 : i32
      %dma_wait3A_387 = tpu.memref_slice %arg6[%add3A_116, %dma_wait3A_386] : memref<50x128xi32, #tpu.memory_space<vmem>> -> memref<1x128xi32, #tpu.memory_space<vmem>>
      %dma_wait3A_388 = tpu.memref_squeeze %dma_wait3A_387 : memref<1x128xi32, #tpu.memory_space<vmem>> -> memref<128xi32, #tpu.memory_space<vmem>>
      %dma_wait3A_389 = arith.constant 0 : i32
      %dma_wait3A_390 = tpu.memref_slice %arg5[%dma_wait3A_389] : memref<100000xf32, #tpu.memory_space<vmem_shared>> -> memref<100000xf32, #tpu.memory_space<vmem_shared>>
      tpu.wait_indirect_dma semaphore(%arg8 : memref<!tpu.dma_semaphore, #tpu.memory_space<semaphore_mem>>) src(%dma_wait3A_390 : memref<100000xf32, #tpu.memory_space<vmem_shared>>) dst(%dma_wait3A_385 : memref<128xf32, #tpu.memory_space<vmem>>)
      %dma_wait3A_391 = arith.constant 0 : i32
      %dma_wait3A_392 = tpu.memref_slice %arg7[%add3A_130, %dma_wait3A_391] : memref<50x128xf32, #tpu.memory_space<vmem>> -> memref<1x128xf32, #tpu.memory_space<vmem>>
      %dma_wait3A_393 = tpu.memref_squeeze %dma_wait3A_392 : memref<1x128xf32, #tpu.memory_space<vmem>> -> memref<128xf32, #tpu.memory_space<vmem>>
      %dma_wait3A_394 = arith.constant 0 : i32
      %dma_wait3A_395 = tpu.memref_slice %arg6[%add3A_128, %dma_wait3A_394] : memref<50x128xi32, #tpu.memory_space<vmem>> -> memref<1x128xi32, #tpu.memory_space<vmem>>
      %dma_wait3A_396 = tpu.memref_squeeze %dma_wait3A_395 : memref<1x128xi32, #tpu.memory_space<vmem>> -> memref<128xi32, #tpu.memory_space<vmem>>
      %dma_wait3A_397 = arith.constant 0 : i32
      %dma_wait3A_398 = tpu.memref_slice %arg5[%dma_wait3A_397] : memref<100000xf32, #tpu.memory_space<vmem_shared>> -> memref<100000xf32, #tpu.memory_space<vmem_shared>>
      tpu.wait_indirect_dma semaphore(%arg8 : memref<!tpu.dma_semaphore, #tpu.memory_space<semaphore_mem>>) src(%dma_wait3A_398 : memref<100000xf32, #tpu.memory_space<vmem_shared>>) dst(%dma_wait3A_393 : memref<128xf32, #tpu.memory_space<vmem>>)
      %dma_wait3A_399 = arith.constant 0 : i32
      %dma_wait3A_400 = tpu.memref_slice %arg7[%add3A_142, %dma_wait3A_399] : memref<50x128xf32, #tpu.memory_space<vmem>> -> memref<1x128xf32, #tpu.memory_space<vmem>>
      %dma_wait3A_401 = tpu.memref_squeeze %dma_wait3A_400 : memref<1x128xf32, #tpu.memory_space<vmem>> -> memref<128xf32, #tpu.memory_space<vmem>>
      %dma_wait3A_402 = arith.constant 0 : i32
      %dma_wait3A_403 = tpu.memref_slice %arg6[%add3A_140, %dma_wait3A_402] : memref<50x128xi32, #tpu.memory_space<vmem>> -> memref<1x128xi32, #tpu.memory_space<vmem>>
      %dma_wait3A_404 = tpu.memref_squeeze %dma_wait3A_403 : memref<1x128xi32, #tpu.memory_space<vmem>> -> memref<128xi32, #tpu.memory_space<vmem>>
      %dma_wait3A_405 = arith.constant 0 : i32
      %dma_wait3A_406 = tpu.memref_slice %arg5[%dma_wait3A_405] : memref<100000xf32, #tpu.memory_space<vmem_shared>> -> memref<100000xf32, #tpu.memory_space<vmem_shared>>
      tpu.wait_indirect_dma semaphore(%arg8 : memref<!tpu.dma_semaphore, #tpu.memory_space<semaphore_mem>>) src(%dma_wait3A_406 : memref<100000xf32, #tpu.memory_space<vmem_shared>>) dst(%dma_wait3A_401 : memref<128xf32, #tpu.memory_space<vmem>>)
      %dma_wait3A_407 = arith.constant 0 : i32
      %dma_wait3A_408 = tpu.memref_slice %arg7[%add3A_154, %dma_wait3A_407] : memref<50x128xf32, #tpu.memory_space<vmem>> -> memref<1x128xf32, #tpu.memory_space<vmem>>
      %dma_wait3A_409 = tpu.memref_squeeze %dma_wait3A_408 : memref<1x128xf32, #tpu.memory_space<vmem>> -> memref<128xf32, #tpu.memory_space<vmem>>
      %dma_wait3A_410 = arith.constant 0 : i32
      %dma_wait3A_411 = tpu.memref_slice %arg6[%add3A_152, %dma_wait3A_410] : memref<50x128xi32, #tpu.memory_space<vmem>> -> memref<1x128xi32, #tpu.memory_space<vmem>>
      %dma_wait3A_412 = tpu.memref_squeeze %dma_wait3A_411 : memref<1x128xi32, #tpu.memory_space<vmem>> -> memref<128xi32, #tpu.memory_space<vmem>>
      %dma_wait3A_413 = arith.constant 0 : i32
      %dma_wait3A_414 = tpu.memref_slice %arg5[%dma_wait3A_413] : memref<100000xf32, #tpu.memory_space<vmem_shared>> -> memref<100000xf32, #tpu.memory_space<vmem_shared>>
      tpu.wait_indirect_dma semaphore(%arg8 : memref<!tpu.dma_semaphore, #tpu.memory_space<semaphore_mem>>) src(%dma_wait3A_414 : memref<100000xf32, #tpu.memory_space<vmem_shared>>) dst(%dma_wait3A_409 : memref<128xf32, #tpu.memory_space<vmem>>)
      %dma_wait3A_415 = arith.constant 0 : i32
      %dma_wait3A_416 = tpu.memref_slice %arg7[%add3A_166, %dma_wait3A_415] : memref<50x128xf32, #tpu.memory_space<vmem>> -> memref<1x128xf32, #tpu.memory_space<vmem>>
      %dma_wait3A_417 = tpu.memref_squeeze %dma_wait3A_416 : memref<1x128xf32, #tpu.memory_space<vmem>> -> memref<128xf32, #tpu.memory_space<vmem>>
      %dma_wait3A_418 = arith.constant 0 : i32
      %dma_wait3A_419 = tpu.memref_slice %arg6[%add3A_164, %dma_wait3A_418] : memref<50x128xi32, #tpu.memory_space<vmem>> -> memref<1x128xi32, #tpu.memory_space<vmem>>
      %dma_wait3A_420 = tpu.memref_squeeze %dma_wait3A_419 : memref<1x128xi32, #tpu.memory_space<vmem>> -> memref<128xi32, #tpu.memory_space<vmem>>
      %dma_wait3A_421 = arith.constant 0 : i32
      %dma_wait3A_422 = tpu.memref_slice %arg5[%dma_wait3A_421] : memref<100000xf32, #tpu.memory_space<vmem_shared>> -> memref<100000xf32, #tpu.memory_space<vmem_shared>>
      tpu.wait_indirect_dma semaphore(%arg8 : memref<!tpu.dma_semaphore, #tpu.memory_space<semaphore_mem>>) src(%dma_wait3A_422 : memref<100000xf32, #tpu.memory_space<vmem_shared>>) dst(%dma_wait3A_417 : memref<128xf32, #tpu.memory_space<vmem>>)
      %dma_wait3A_423 = arith.constant 0 : i32
      %dma_wait3A_424 = tpu.memref_slice %arg7[%add3A_178, %dma_wait3A_423] : memref<50x128xf32, #tpu.memory_space<vmem>> -> memref<1x128xf32, #tpu.memory_space<vmem>>
      %dma_wait3A_425 = tpu.memref_squeeze %dma_wait3A_424 : memref<1x128xf32, #tpu.memory_space<vmem>> -> memref<128xf32, #tpu.memory_space<vmem>>
      %dma_wait3A_426 = arith.constant 0 : i32
      %dma_wait3A_427 = tpu.memref_slice %arg6[%add3A_176, %dma_wait3A_426] : memref<50x128xi32, #tpu.memory_space<vmem>> -> memref<1x128xi32, #tpu.memory_space<vmem>>
      %dma_wait3A_428 = tpu.memref_squeeze %dma_wait3A_427 : memref<1x128xi32, #tpu.memory_space<vmem>> -> memref<128xi32, #tpu.memory_space<vmem>>
      %dma_wait3A_429 = arith.constant 0 : i32
      %dma_wait3A_430 = tpu.memref_slice %arg5[%dma_wait3A_429] : memref<100000xf32, #tpu.memory_space<vmem_shared>> -> memref<100000xf32, #tpu.memory_space<vmem_shared>>
      tpu.wait_indirect_dma semaphore(%arg8 : memref<!tpu.dma_semaphore, #tpu.memory_space<semaphore_mem>>) src(%dma_wait3A_430 : memref<100000xf32, #tpu.memory_space<vmem_shared>>) dst(%dma_wait3A_425 : memref<128xf32, #tpu.memory_space<vmem>>)
      %dma_wait3A_431 = arith.constant 0 : i32
      %dma_wait3A_432 = tpu.memref_slice %arg7[%add3A_190, %dma_wait3A_431] : memref<50x128xf32, #tpu.memory_space<vmem>> -> memref<1x128xf32, #tpu.memory_space<vmem>>
      %dma_wait3A_433 = tpu.memref_squeeze %dma_wait3A_432 : memref<1x128xf32, #tpu.memory_space<vmem>> -> memref<128xf32, #tpu.memory_space<vmem>>
      %dma_wait3A_434 = arith.constant 0 : i32
      %dma_wait3A_435 = tpu.memref_slice %arg6[%add3A_188, %dma_wait3A_434] : memref<50x128xi32, #tpu.memory_space<vmem>> -> memref<1x128xi32, #tpu.memory_space<vmem>>
      %dma_wait3A_436 = tpu.memref_squeeze %dma_wait3A_435 : memref<1x128xi32, #tpu.memory_space<vmem>> -> memref<128xi32, #tpu.memory_space<vmem>>
      %dma_wait3A_437 = arith.constant 0 : i32
      %dma_wait3A_438 = tpu.memref_slice %arg5[%dma_wait3A_437] : memref<100000xf32, #tpu.memory_space<vmem_shared>> -> memref<100000xf32, #tpu.memory_space<vmem_shared>>
      tpu.wait_indirect_dma semaphore(%arg8 : memref<!tpu.dma_semaphore, #tpu.memory_space<semaphore_mem>>) src(%dma_wait3A_438 : memref<100000xf32, #tpu.memory_space<vmem_shared>>) dst(%dma_wait3A_433 : memref<128xf32, #tpu.memory_space<vmem>>)
      %dma_wait3A_439 = arith.constant 0 : i32
      %dma_wait3A_440 = tpu.memref_slice %arg7[%add3A_202, %dma_wait3A_439] : memref<50x128xf32, #tpu.memory_space<vmem>> -> memref<1x128xf32, #tpu.memory_space<vmem>>
      %dma_wait3A_441 = tpu.memref_squeeze %dma_wait3A_440 : memref<1x128xf32, #tpu.memory_space<vmem>> -> memref<128xf32, #tpu.memory_space<vmem>>
      %dma_wait3A_442 = arith.constant 0 : i32
      %dma_wait3A_443 = tpu.memref_slice %arg6[%add3A_200, %dma_wait3A_442] : memref<50x128xi32, #tpu.memory_space<vmem>> -> memref<1x128xi32, #tpu.memory_space<vmem>>
      %dma_wait3A_444 = tpu.memref_squeeze %dma_wait3A_443 : memref<1x128xi32, #tpu.memory_space<vmem>> -> memref<128xi32, #tpu.memory_space<vmem>>
      %dma_wait3A_445 = arith.constant 0 : i32
      %dma_wait3A_446 = tpu.memref_slice %arg5[%dma_wait3A_445] : memref<100000xf32, #tpu.memory_space<vmem_shared>> -> memref<100000xf32, #tpu.memory_space<vmem_shared>>
      tpu.wait_indirect_dma semaphore(%arg8 : memref<!tpu.dma_semaphore, #tpu.memory_space<semaphore_mem>>) src(%dma_wait3A_446 : memref<100000xf32, #tpu.memory_space<vmem_shared>>) dst(%dma_wait3A_441 : memref<128xf32, #tpu.memory_space<vmem>>)
      %dma_wait3A_447 = arith.constant 0 : i32
      %dma_wait3A_448 = tpu.memref_slice %arg7[%add3A_214, %dma_wait3A_447] : memref<50x128xf32, #tpu.memory_space<vmem>> -> memref<1x128xf32, #tpu.memory_space<vmem>>
      %dma_wait3A_449 = tpu.memref_squeeze %dma_wait3A_448 : memref<1x128xf32, #tpu.memory_space<vmem>> -> memref<128xf32, #tpu.memory_space<vmem>>
      %dma_wait3A_450 = arith.constant 0 : i32
      %dma_wait3A_451 = tpu.memref_slice %arg6[%add3A_212, %dma_wait3A_450] : memref<50x128xi32, #tpu.memory_space<vmem>> -> memref<1x128xi32, #tpu.memory_space<vmem>>
      %dma_wait3A_452 = tpu.memref_squeeze %dma_wait3A_451 : memref<1x128xi32, #tpu.memory_space<vmem>> -> memref<128xi32, #tpu.memory_space<vmem>>
      %dma_wait3A_453 = arith.constant 0 : i32
      %dma_wait3A_454 = tpu.memref_slice %arg5[%dma_wait3A_453] : memref<100000xf32, #tpu.memory_space<vmem_shared>> -> memref<100000xf32, #tpu.memory_space<vmem_shared>>
      tpu.wait_indirect_dma semaphore(%arg8 : memref<!tpu.dma_semaphore, #tpu.memory_space<semaphore_mem>>) src(%dma_wait3A_454 : memref<100000xf32, #tpu.memory_space<vmem_shared>>) dst(%dma_wait3A_449 : memref<128xf32, #tpu.memory_space<vmem>>)
      %dma_wait3A_455 = arith.constant 0 : i32
      %dma_wait3A_456 = tpu.memref_slice %arg7[%add3A_226, %dma_wait3A_455] : memref<50x128xf32, #tpu.memory_space<vmem>> -> memref<1x128xf32, #tpu.memory_space<vmem>>
      %dma_wait3A_457 = tpu.memref_squeeze %dma_wait3A_456 : memref<1x128xf32, #tpu.memory_space<vmem>> -> memref<128xf32, #tpu.memory_space<vmem>>
      %dma_wait3A_458 = arith.constant 0 : i32
      %dma_wait3A_459 = tpu.memref_slice %arg6[%add3A_224, %dma_wait3A_458] : memref<50x128xi32, #tpu.memory_space<vmem>> -> memref<1x128xi32, #tpu.memory_space<vmem>>
      %dma_wait3A_460 = tpu.memref_squeeze %dma_wait3A_459 : memref<1x128xi32, #tpu.memory_space<vmem>> -> memref<128xi32, #tpu.memory_space<vmem>>
      %dma_wait3A_461 = arith.constant 0 : i32
      %dma_wait3A_462 = tpu.memref_slice %arg5[%dma_wait3A_461] : memref<100000xf32, #tpu.memory_space<vmem_shared>> -> memref<100000xf32, #tpu.memory_space<vmem_shared>>
      tpu.wait_indirect_dma semaphore(%arg8 : memref<!tpu.dma_semaphore, #tpu.memory_space<semaphore_mem>>) src(%dma_wait3A_462 : memref<100000xf32, #tpu.memory_space<vmem_shared>>) dst(%dma_wait3A_457 : memref<128xf32, #tpu.memory_space<vmem>>)
      %dma_wait3A_463 = arith.constant 0 : i32
      %dma_wait3A_464 = tpu.memref_slice %arg7[%add3A_238, %dma_wait3A_463] : memref<50x128xf32, #tpu.memory_space<vmem>> -> memref<1x128xf32, #tpu.memory_space<vmem>>
      %dma_wait3A_465 = tpu.memref_squeeze %dma_wait3A_464 : memref<1x128xf32, #tpu.memory_space<vmem>> -> memref<128xf32, #tpu.memory_space<vmem>>
      %dma_wait3A_466 = arith.constant 0 : i32
      %dma_wait3A_467 = tpu.memref_slice %arg6[%add3A_236, %dma_wait3A_466] : memref<50x128xi32, #tpu.memory_space<vmem>> -> memref<1x128xi32, #tpu.memory_space<vmem>>
      %dma_wait3A_468 = tpu.memref_squeeze %dma_wait3A_467 : memref<1x128xi32, #tpu.memory_space<vmem>> -> memref<128xi32, #tpu.memory_space<vmem>>
      %dma_wait3A_469 = arith.constant 0 : i32
      %dma_wait3A_470 = tpu.memref_slice %arg5[%dma_wait3A_469] : memref<100000xf32, #tpu.memory_space<vmem_shared>> -> memref<100000xf32, #tpu.memory_space<vmem_shared>>
      tpu.wait_indirect_dma semaphore(%arg8 : memref<!tpu.dma_semaphore, #tpu.memory_space<semaphore_mem>>) src(%dma_wait3A_470 : memref<100000xf32, #tpu.memory_space<vmem_shared>>) dst(%dma_wait3A_465 : memref<128xf32, #tpu.memory_space<vmem>>)
      %dma_wait3A_471 = arith.constant 0 : i32
      %dma_wait3A_472 = tpu.memref_slice %arg7[%add3A_250, %dma_wait3A_471] : memref<50x128xf32, #tpu.memory_space<vmem>> -> memref<1x128xf32, #tpu.memory_space<vmem>>
      %dma_wait3A_473 = tpu.memref_squeeze %dma_wait3A_472 : memref<1x128xf32, #tpu.memory_space<vmem>> -> memref<128xf32, #tpu.memory_space<vmem>>
      %dma_wait3A_474 = arith.constant 0 : i32
      %dma_wait3A_475 = tpu.memref_slice %arg6[%add3A_248, %dma_wait3A_474] : memref<50x128xi32, #tpu.memory_space<vmem>> -> memref<1x128xi32, #tpu.memory_space<vmem>>
      %dma_wait3A_476 = tpu.memref_squeeze %dma_wait3A_475 : memref<1x128xi32, #tpu.memory_space<vmem>> -> memref<128xi32, #tpu.memory_space<vmem>>
      %dma_wait3A_477 = arith.constant 0 : i32
      %dma_wait3A_478 = tpu.memref_slice %arg5[%dma_wait3A_477] : memref<100000xf32, #tpu.memory_space<vmem_shared>> -> memref<100000xf32, #tpu.memory_space<vmem_shared>>
      tpu.wait_indirect_dma semaphore(%arg8 : memref<!tpu.dma_semaphore, #tpu.memory_space<semaphore_mem>>) src(%dma_wait3A_478 : memref<100000xf32, #tpu.memory_space<vmem_shared>>) dst(%dma_wait3A_473 : memref<128xf32, #tpu.memory_space<vmem>>)
      %dma_wait3A_479 = arith.constant 0 : i32
      %dma_wait3A_480 = tpu.memref_slice %arg7[%add3A_262, %dma_wait3A_479] : memref<50x128xf32, #tpu.memory_space<vmem>> -> memref<1x128xf32, #tpu.memory_space<vmem>>
      %dma_wait3A_481 = tpu.memref_squeeze %dma_wait3A_480 : memref<1x128xf32, #tpu.memory_space<vmem>> -> memref<128xf32, #tpu.memory_space<vmem>>
      %dma_wait3A_482 = arith.constant 0 : i32
      %dma_wait3A_483 = tpu.memref_slice %arg6[%add3A_260, %dma_wait3A_482] : memref<50x128xi32, #tpu.memory_space<vmem>> -> memref<1x128xi32, #tpu.memory_space<vmem>>
      %dma_wait3A_484 = tpu.memref_squeeze %dma_wait3A_483 : memref<1x128xi32, #tpu.memory_space<vmem>> -> memref<128xi32, #tpu.memory_space<vmem>>
      %dma_wait3A_485 = arith.constant 0 : i32
      %dma_wait3A_486 = tpu.memref_slice %arg5[%dma_wait3A_485] : memref<100000xf32, #tpu.memory_space<vmem_shared>> -> memref<100000xf32, #tpu.memory_space<vmem_shared>>
      tpu.wait_indirect_dma semaphore(%arg8 : memref<!tpu.dma_semaphore, #tpu.memory_space<semaphore_mem>>) src(%dma_wait3A_486 : memref<100000xf32, #tpu.memory_space<vmem_shared>>) dst(%dma_wait3A_481 : memref<128xf32, #tpu.memory_space<vmem>>)
      %dma_wait3A_487 = arith.constant 0 : i32
      %dma_wait3A_488 = tpu.memref_slice %arg7[%add3A_274, %dma_wait3A_487] : memref<50x128xf32, #tpu.memory_space<vmem>> -> memref<1x128xf32, #tpu.memory_space<vmem>>
      %dma_wait3A_489 = tpu.memref_squeeze %dma_wait3A_488 : memref<1x128xf32, #tpu.memory_space<vmem>> -> memref<128xf32, #tpu.memory_space<vmem>>
      %dma_wait3A_490 = arith.constant 0 : i32
      %dma_wait3A_491 = tpu.memref_slice %arg6[%add3A_272, %dma_wait3A_490] : memref<50x128xi32, #tpu.memory_space<vmem>> -> memref<1x128xi32, #tpu.memory_space<vmem>>
      %dma_wait3A_492 = tpu.memref_squeeze %dma_wait3A_491 : memref<1x128xi32, #tpu.memory_space<vmem>> -> memref<128xi32, #tpu.memory_space<vmem>>
      %dma_wait3A_493 = arith.constant 0 : i32
      %dma_wait3A_494 = tpu.memref_slice %arg5[%dma_wait3A_493] : memref<100000xf32, #tpu.memory_space<vmem_shared>> -> memref<100000xf32, #tpu.memory_space<vmem_shared>>
      tpu.wait_indirect_dma semaphore(%arg8 : memref<!tpu.dma_semaphore, #tpu.memory_space<semaphore_mem>>) src(%dma_wait3A_494 : memref<100000xf32, #tpu.memory_space<vmem_shared>>) dst(%dma_wait3A_489 : memref<128xf32, #tpu.memory_space<vmem>>)
      %dma_wait3A_495 = arith.constant 0 : i32
      %dma_wait3A_496 = tpu.memref_slice %arg7[%add3A_286, %dma_wait3A_495] : memref<50x128xf32, #tpu.memory_space<vmem>> -> memref<1x128xf32, #tpu.memory_space<vmem>>
      %dma_wait3A_497 = tpu.memref_squeeze %dma_wait3A_496 : memref<1x128xf32, #tpu.memory_space<vmem>> -> memref<128xf32, #tpu.memory_space<vmem>>
      %dma_wait3A_498 = arith.constant 0 : i32
      %dma_wait3A_499 = tpu.memref_slice %arg6[%add3A_284, %dma_wait3A_498] : memref<50x128xi32, #tpu.memory_space<vmem>> -> memref<1x128xi32, #tpu.memory_space<vmem>>
      %dma_wait3A_500 = tpu.memref_squeeze %dma_wait3A_499 : memref<1x128xi32, #tpu.memory_space<vmem>> -> memref<128xi32, #tpu.memory_space<vmem>>
      %dma_wait3A_501 = arith.constant 0 : i32
      %dma_wait3A_502 = tpu.memref_slice %arg5[%dma_wait3A_501] : memref<100000xf32, #tpu.memory_space<vmem_shared>> -> memref<100000xf32, #tpu.memory_space<vmem_shared>>
      tpu.wait_indirect_dma semaphore(%arg8 : memref<!tpu.dma_semaphore, #tpu.memory_space<semaphore_mem>>) src(%dma_wait3A_502 : memref<100000xf32, #tpu.memory_space<vmem_shared>>) dst(%dma_wait3A_497 : memref<128xf32, #tpu.memory_space<vmem>>)
      %dma_wait3A_503 = arith.constant 0 : i32
      %dma_wait3A_504 = tpu.memref_slice %arg7[%add3A_298, %dma_wait3A_503] : memref<50x128xf32, #tpu.memory_space<vmem>> -> memref<1x128xf32, #tpu.memory_space<vmem>>
      %dma_wait3A_505 = tpu.memref_squeeze %dma_wait3A_504 : memref<1x128xf32, #tpu.memory_space<vmem>> -> memref<128xf32, #tpu.memory_space<vmem>>
      %dma_wait3A_506 = arith.constant 0 : i32
      %dma_wait3A_507 = tpu.memref_slice %arg6[%add3A_296, %dma_wait3A_506] : memref<50x128xi32, #tpu.memory_space<vmem>> -> memref<1x128xi32, #tpu.memory_space<vmem>>
      %dma_wait3A_508 = tpu.memref_squeeze %dma_wait3A_507 : memref<1x128xi32, #tpu.memory_space<vmem>> -> memref<128xi32, #tpu.memory_space<vmem>>
      %dma_wait3A_509 = arith.constant 0 : i32
      %dma_wait3A_510 = tpu.memref_slice %arg5[%dma_wait3A_509] : memref<100000xf32, #tpu.memory_space<vmem_shared>> -> memref<100000xf32, #tpu.memory_space<vmem_shared>>
      tpu.wait_indirect_dma semaphore(%arg8 : memref<!tpu.dma_semaphore, #tpu.memory_space<semaphore_mem>>) src(%dma_wait3A_510 : memref<100000xf32, #tpu.memory_space<vmem_shared>>) dst(%dma_wait3A_505 : memref<128xf32, #tpu.memory_space<vmem>>)
      %dma_wait3A_511 = arith.constant 0 : i32
      %dma_wait3A_512 = tpu.memref_slice %arg7[%add3A_310, %dma_wait3A_511] : memref<50x128xf32, #tpu.memory_space<vmem>> -> memref<1x128xf32, #tpu.memory_space<vmem>>
      %dma_wait3A_513 = tpu.memref_squeeze %dma_wait3A_512 : memref<1x128xf32, #tpu.memory_space<vmem>> -> memref<128xf32, #tpu.memory_space<vmem>>
      %dma_wait3A_514 = arith.constant 0 : i32
      %dma_wait3A_515 = tpu.memref_slice %arg6[%add3A_308, %dma_wait3A_514] : memref<50x128xi32, #tpu.memory_space<vmem>> -> memref<1x128xi32, #tpu.memory_space<vmem>>
      %dma_wait3A_516 = tpu.memref_squeeze %dma_wait3A_515 : memref<1x128xi32, #tpu.memory_space<vmem>> -> memref<128xi32, #tpu.memory_space<vmem>>
      %dma_wait3A_517 = arith.constant 0 : i32
      %dma_wait3A_518 = tpu.memref_slice %arg5[%dma_wait3A_517] : memref<100000xf32, #tpu.memory_space<vmem_shared>> -> memref<100000xf32, #tpu.memory_space<vmem_shared>>
      tpu.wait_indirect_dma semaphore(%arg8 : memref<!tpu.dma_semaphore, #tpu.memory_space<semaphore_mem>>) src(%dma_wait3A_518 : memref<100000xf32, #tpu.memory_space<vmem_shared>>) dst(%dma_wait3A_513 : memref<128xf32, #tpu.memory_space<vmem>>)
    }
    %scan3A_15 = arith.constant 2 : i32
    "tpu.region"() ({
      %run_scoped3A = tpu.sem_alloc : memref<!tpu.dma_semaphore, #tpu.memory_space<semaphore_mem>>
      %dma_start3A_16 = arith.constant 0 : i32
      %dma_start3A_17 = tpu.memref_slice %arg4[%dma_start3A_16, %mul3A_2] : memref<50x4096xf32, #tpu.memory_space<hbm>> -> memref<50x128xf32, #tpu.memory_space<hbm>>
      %dma_start3A_18 = arith.constant 0 : i32
      %dma_start3A_19 = tpu.memref_slice %arg4[%dma_start3A_18, %mul3A_2] : memref<50x4096xf32, #tpu.memory_space<hbm>> -> memref<50x128xf32, #tpu.memory_space<hbm>>
      tpu.enqueue_dma source(%arg7 : memref<50x128xf32, #tpu.memory_space<vmem>>) target(%dma_start3A_19 : memref<50x128xf32, #tpu.memory_space<hbm>>) target_semaphore(%run_scoped3A : memref<!tpu.dma_semaphore, #tpu.memory_space<semaphore_mem>>)
      %dma_wait3A_20 = arith.constant 0 : i32
      %dma_wait3A_21 = tpu.memref_slice %arg4[%dma_wait3A_20, %mul3A_2] : memref<50x4096xf32, #tpu.memory_space<hbm>> -> memref<50x128xf32, #tpu.memory_space<hbm>>
      %dma_wait3A_22 = arith.constant 0 : i32
      %dma_wait3A_23 = tpu.memref_slice %arg4[%dma_wait3A_22, %mul3A_2] : memref<50x4096xf32, #tpu.memory_space<hbm>> -> memref<50x128xf32, #tpu.memory_space<hbm>>
      tpu.wait_dma2 semaphore(%run_scoped3A : memref<!tpu.dma_semaphore, #tpu.memory_space<semaphore_mem>>) src(%arg7 : memref<50x128xf32, #tpu.memory_space<vmem>>) dst(%dma_wait3A_23 : memref<50x128xf32, #tpu.memory_space<hbm>>)
      tpu.yield
    }) : () -> ()
    return
  }
}

</mosaic_0001>

<sc_bundles>
// kernel: kernel.3.cloned.1.call-start
scs
__scs_entry_jumppad:
0x0: {  	(pc) =	sbr.rel $0x88, $3  }
0x1: {  	(tag) =	ssettag $0x0;
	lr =	simm.s32 $0x1  }
0x2: {  	[smem:$0x3F9F] =	sst lr;
	_ =	strace $0xD0000000  }
0x3: {  	_ = 	snop  }
0x4: {  	_ = 	snop  }
0x5: {  	_ = 	snop  }
0x6: {  	_ = 	snop  }
0x7: {  	_ = 	snop  }
__scs_overlays_trampoline_lowered:
0x8: {  	[smem:$0x3FAE] =	sst s0  }
0x9: {  	[smem:$0x3FAF] =	sst s1  }
0xa: {  	[smem:$0x3FB0] =	sst s2  }
0xb: {  	[smem:$0x3FB1] =	sst s3  }
0xc: {  	[smem:$0x3FB2] =	sst s4  }
0xd: {  	[smem:$0x3FB3] =	sst s5  }
0xe: {  	[smem:$0x3FB4] =	sst s6  }
0xf: {  	[smem:$0x3FB5] =	sst s7  }
0x10: {  	[smem:$0x3FB6] =	sst s8  }
0x11: {  	[smem:$0x3FB7] =	sst s9;
	s0 =	simm.s32 @!p0 $0x0  }
0x12: {  	s1 =	sld [smem:$0x3F9D];
	s0 =	simm.s32 @p0 $0x1  }
0x13: {  	[smem:$0x3FB8] =	sst s0;
	s0 =	simm.s32 @!p1 $0x0  }
0x14: {  	s2 =	sld [smem:$0x3F9C];
	s0 =	simm.s32 @p1 $0x1  }
0x15: {  	[smem:$0x3FB9] =	sst s0;
	s0 =	simm.s32 @!p2 $0x0  }
0x16: {  	s3 =	sld [smem:$0x3FDB];
	s0 =	simm.s32 @p2 $0x1  }
0x17: {  	s4 =	simm.s32 $0x1BF5;
	[smem:$0x3FBB] =	sst s0  }
0x18: {  	s0 =	sld [smem:$0x3F9E];
	_ =	swait.ge [sflag:s4], $0x0  }
0x19: {  	s7 =	sld [smem:$0x3F9F]  }
0x1a: {  	s8 =	sadd.s32 $0xFFFFE003, lr  }
0x1b: {  	s9 =	sadd.s32 $0xFFFFFEF7, lr;
	s5 =	simm.s32 $0xFFFFFFFF;
	p2 =	slt.u32 s8, $0xFFFFF086  }
0x1c: {  	p1 =	slt.u32 s9, $0xF7A;
	s5 =	simm.s32 @!p2 $0x0  }
0x1d: {  	s5 =	simm.s32 @p1 $0x1;
	p0 =	seq.s32 s7, s2  }
0x1e: {  	s7 =	smul.u32 @!p0 $0xF7A, s2;
	p2 =	seq.s32 @!p0 s5, $0x0  }
0x1f: {  	s9 =	smul.u32 $0xF7A, s1;
	s8 =	simm.s32 @!p0 $0x1BF5;
	p2 =	por !p2, p0  }
0x20: {  	[sflag:s8] =	ssyncset.s32 @!p0 $0xFFFFF086;
	s6 =	sadd.s32 @!p0 s3, s7;
	s7 =	simm.s32 @!p0 $0x108  }
0x21: {  	s3 =	sadd.s32 s3, s9;
	s6 =	sadd.s32 @!p0 $0x88, s6;
	s7 =	simm.s32 @p2 $0x1082  }
0x22: {  	[simem:s7], [sflag:s8] =	dma.local @!p0 [hbm:s6], $0xF7A  }
0x23: {  	s9 =	sor.u32 $0xD0000000, s2;
	s6 =	simm.s32 $0x108;
	_ =	swait.ge @!p0 [sflag:s8], $0x0  }
0x24: {  	s3 =	sadd.s32 $0x88, s3;
	s6 =	simm.s32 @!p1 $0x1082;
	[sflag:s4] =	ssyncset.s32 $0xFFFFF086  }
0x25: {  	[simem:s6], [sflag:s4] =	dma.local [hbm:s3], $0xF7A  }
0x26: {  	[smem:$0x3F9F] =	sst s1;
	(tag) =	ssettag s2;
	_ =	strace s9  }
0x27: {  	s1 =	sld [smem:$0x3FAF]  }
0x28: {  	s2 =	sld [smem:$0x3FB0]  }
0x29: {  	s4 =	sld [smem:$0x3FB2]  }
0x2a: {  	p0 =	seq.s32 s5, $0x0;
	s5 =	sld [smem:$0x3FB3]  }
0x2b: {  	s6 =	sld [smem:$0x3FB4]  }
0x2c: {  	s7 =	sld [smem:$0x3FB5]  }
0x2d: {  	s3 =	simm.s32 $0x108;
	s8 =	sld [smem:$0x3FB6]  }
0x2e: {  	s3 =	simm.s32 @!p0 $0x1082;
	s9 =	sld [smem:$0x3FB7]  }
0x2f: {  	lr =	sadd.s32 s0, s3;
	s0 =	sld [smem:$0x3FAE]  }
0x30: {  	s3 =	sld [smem:$0x3FB1]  }
0x31: {  	[smem:$0x3FBA] =	sst s10  }
0x32: {  	s10 =	sld [smem:$0x3FB8];
	_ =	sdelay $0x3  }
0x33: {  	p0 =	seq.s32 s10, $0x1;
	s10 =	sld [smem:$0x3FBA];
	_ =	sdelay $0x3  }
0x34: {  	[smem:$0x3FBA] =	sst s10  }
0x35: {  	s10 =	sld [smem:$0x3FB9];
	_ =	sdelay $0x3  }
0x36: {  	p1 =	seq.s32 s10, $0x1;
	s10 =	sld [smem:$0x3FBA];
	_ =	sdelay $0x3  }
0x37: {  	[smem:$0x3FBA] =	sst s10  }
0x38: {  	s10 =	sld [smem:$0x3FBB]  }
0x39: {  	_ = 	snop;
	(pc) =	sbr.ind lr, $3  }
0x3a: {  	_ = 	snop  }
0x3b: {  	_ = 	snop  }
0x3c: {  	p2 =	seq.s32 s10, $0x1;
	s10 =	sld [smem:$0x3FBA]  }
0x3d: {  	_ =	shalt  }
0x3e: {  	_ =	shalt  }
0x3f: {  	_ =	shalt  }
0x40: {  	_ =	shalt  }
0x41: {  	_ =	shalt  }
0x42: {  	_ =	shalt  }
0x43: {  	_ =	shalt  }
0x44: {  	_ =	shalt  }
0x45: {  	_ =	shalt  }
0x46: {  	_ =	shalt  }
0x47: {  	_ =	shalt  }
0x48: {  	_ =	shalt  }
0x49: {  	_ =	shalt  }
0x4a: {  	_ =	shalt  }
0x4b: {  	_ =	shalt  }
0x4c: {  	_ =	shalt  }
0x4d: {  	_ =	shalt  }
0x4e: {  	_ =	shalt  }
0x4f: {  	_ =	shalt  }
0x50: {  	_ =	shalt  }
0x51: {  	_ =	shalt  }
0x52: {  	_ =	shalt  }
0x53: {  	_ =	shalt  }
0x54: {  	_ =	shalt  }
0x55: {  	_ =	shalt  }
0x56: {  	_ =	shalt  }
0x57: {  	_ =	shalt  }
0x58: {  	_ =	shalt  }
0x59: {  	_ =	shalt  }
0x5a: {  	_ =	shalt  }
0x5b: {  	_ =	shalt  }
0x5c: {  	_ =	shalt  }
0x5d: {  	_ =	shalt  }
0x5e: {  	_ =	shalt  }
0x5f: {  	_ =	shalt  }
0x60: {  	_ =	shalt  }
0x61: {  	_ =	shalt  }
0x62: {  	_ =	shalt  }
0x63: {  	_ =	shalt  }
0x64: {  	_ =	shalt  }
0x65: {  	_ =	shalt  }
0x66: {  	_ =	shalt  }
0x67: {  	_ =	shalt  }
0x68: {  	_ =	shalt  }
0x69: {  	_ =	shalt  }
0x6a: {  	_ =	shalt  }
0x6b: {  	_ =	shalt  }
0x6c: {  	_ =	shalt  }
0x6d: {  	_ =	shalt  }
0x6e: {  	_ =	shalt  }
0x6f: {  	_ =	shalt  }
0x70: {  	_ =	shalt  }
0x71: {  	_ =	shalt  }
0x72: {  	_ =	shalt  }
0x73: {  	_ =	shalt  }
0x74: {  	_ =	shalt  }
0x75: {  	_ =	shalt  }
0x76: {  	_ =	shalt  }
0x77: {  	_ =	shalt  }
0x78: {  	_ =	shalt  }
0x79: {  	_ =	shalt  }
0x7a: {  	_ =	shalt  }
0x7b: {  	_ =	shalt  }
0x7c: {  	_ =	shalt  }
0x7d: {  	_ =	shalt  }
0x7e: {  	_ =	shalt  }
0x7f: {  	_ =	shalt  }
0x80: {  	_ =	shalt  }
0x81: {  	_ =	shalt  }
0x82: {  	_ =	shalt  }
0x83: {  	_ =	shalt  }
0x84: {  	_ =	shalt  }
0x85: {  	_ =	shalt  }
0x86: {  	_ =	shalt  }
0x87: {  	_ =	shalt  }
.Lfunc_end0:
.L_simem_size_0:
called_computation_lowered:
.L_overlay_start_0:
0x88: {  	s2 =	sld [smem:$0x3FD9]  }
0x89: {  	s3 =	sld [smem:$0x3FFE];
	_ =	sdelay $0x1  }
0x8a: {  	s1 =	srdreg.scid  }
0x8b: {  	s0 =	sand.u32 $0x1, s1  }
0x8c: {  	s18 =	sshll.u32 s0, $0xA;
	s2 =	sadd.s32 s3, s2  }
0x8d: {  	s2 =	sadd.s32 s2, s18  }
0x8e: {  	[smem:$0x3FC6] =	sst s2  }
0x8f: {  	_ = 	snop  }
0x90: {  	s2 =	sld [smem:$0x3FC9]  }
0x91: {  	s19 =	sld [smem:$0x3FC8]  }
0x92: {  	s4 =	sld [smem:$0x3FD0];
	(tm) =	ssettm $0x1  }
0x93: {  	s5 =	sld [smem:$0x3FFB];
	_ =	sdelay $0x3  }
0x94: {  	_ =	strace s5  }
0x95: {  	s5 =	sld [smem:$0x3FFC];
	_ =	sdelay $0x3  }
0x96: {  	_ =	strace s5  }
0x97: {  	s5 =	sld [smem:$0x3FFD];
	_ =	sdelay $0x3  }
0x98: {  	_ =	strace s5  }
0x99: {  	_ =	strace $0x8FFFFFFF  }
0x9a: {  	s20 =	sld [smem:$0x3FDB];
	_ =	sdelay $0x1  }
0x9b: {  	s6 =	simm.s32 $_scs_section_size  }
0x9c: {  	s7 =	simm.s32 $_size__tile_overlayer_lowered;
	s8 =	simm.s32 $_tile_overlayer_lowered  }
0x9d: {  	s23 =	simm.s32 $0x1BFF;
	s22 =	sshll.u32 s8, $0x1;
	s5 =	sadd.s32 s6, s20  }
0x9e: {  	s9 =	simm.s32 $0x0;
	s21 =	sshll.u32 s7, $0x1;
	s7 =	sadd.s32 s22, s5  }
0x9f: {  	[timem:s9], [sflag:s23] =	dma.local [hbm:s7], s21  }
0xa0: {  	_ =	swait.ge [sflag:s23], s21  }
0xa1: {  	s6 =	ssub.s32 $0x0, s21;
	[sflag:s23] =	ssyncset.done $0x0  }
0xa2: {  	[sflag:s23] =	ssyncadd.s32 s6;
	_ =	sdelay $0x1  }
0xa3: {  	s24 =	simm.s32 $0x1B8B  }
0xa4: {  	_ =	swait.ge [sflag:s24], $0x1  }
0xa5: {  	[sflag:s24] =	ssyncset.done $0x0  }
0xa6: {  	s25 =	simm.s32 $0x1B8E;
	[sflag:s24] =	ssyncadd.s32 $0xFFFFFFFF  }
0xa7: {  	s26 =	simm.s32 $execute0_lowered;
	[smem:$0x3FD2] =	sst s25  }
0xa8: {  	s6 =	sshll.u32 s26, $0x1;
	_ =	strace $0x80000046;
	[dreg:$0x1] =	wrdreg $0xFFFFFFFF  }
0xa9: {  	s28 =	simm.s32 $_size_execute0_lowered;
	s5 =	sadd.s32 s5, s6;
	[dreg:$0x0] =	wrdreg $0x0  }
0xaa: {  	s6 =	sshll.u32 s28, $0x1;
	[dreg:$0x2] =	wrdreg s5  }
0xab: {  	[dreg:$0x3] =	wrdreg s6  }
0xac: {  	[dreg:$0x4] =	wrdreg $0xC0  }
0xad: {  	_ =	task [dreg:s9], $0x5FFFF  }
0xae: {  	[dreg:$0x1] =	wrdreg $0xFFFFFFFF  }
0xaf: {  	[dreg:$0x0] =	wrdreg $0x60  }
0xb0: {  	[dreg:$0x2] =	wrdreg s2  }
0xb1: {  	[dreg:$0x3] =	wrdreg s19  }
0xb2: {  	[dreg:$0x4] =	wrdreg s4  }
0xb3: {  	[dreg:$0x5] =	wrdreg $0x0  }
0xb4: {  	[dreg:$0x6] =	wrdreg $0x9  }
0xb5: {  	_ =	task.clear_ibuf [dreg:s9], $0x7FFFF;
	_ =	strace $0x90000046  }
0xb6: {  	s29 =	simm.s32 $0x9;
	_ =	strace $0x80000048  }
0xb7: {  	_ =	swait.ge [sflag:s29], $0x1  }
0xb8: {  	[sflag:s29] =	ssyncadd.s32 $0xFFFFFFFF  }
0xb9: {  	_ =	strace $0x90000048  }
0xba: {  	_ =	sfence  }
0xbb: {  	s30 =	sld [smem:$0x0];
	_ =	sdelay $0x2  }
0xbc: {  	s31 =	sshll.u32 s1, $0xD;
	s1 =	sshrl.u32 s1, $0x2  }
0xbd: {  	s3 =	sand.u32 $0x4000, s31;
	s1 =	sadd.s32 s1, s30  }
0xbe: {  	s0 =	sor.u32 s3, s0;
	s1 =	sshll.u32 s1, $0x11  }
0xbf: {  	s0 =	sor.u32 s1, s0  }
0xc0: {  	s0 =	sadd.s32 $0x8F2B, s0  }
0xc1: {  	[sflag:s0] =	ssyncadd.remote.s32 $0x1  }
0xc2: {  	_ =	sfence.sel $0xFFFF  }
0xc3: {  	[dreg:$0x0] =	wrdreg $0xFFFFFFFF;
	(pc) =	sbr.abs _section_cstart, $3  }
0xc4: {  	[dreg:$0x1] =	wrdreg $0xFFFFFFFF  }
0xc5: {  	_ =	task.clear_ibuf [dreg:s9], $0x2FFFF;
	_ =	strace $0x9FFFFFFF  }
0xc6: {  	(tm) =	ssettm $0x7FFFFFFF  }
0xc7: {  	_ =	shalt  }
tec
execute0_lowered:
.L_overlay_start_1:
0x0: {  	(tag) =	ssettag $0x1  }
0x1: {  	s3 =	rddreg [dreg:$0x0]  }
0x2: {  	s0 =	rddreg [dreg:$0x1]  }
0x3: {  	s4 =	rddreg [dreg:$0x2]  }
0x4: {  	s1 =	rddreg [dreg:$0x3]  }
0x5: {  	s2 =	simm.s32 $0x0;
	[dreg:$0x5] =	wrdreg s0  }
0x6: {  	s20 =	simm.s32 $0x18F0;
	[smem:$0x7FF] =	sst s2  }
0x7: {  	s21 =	simm.s32 $0x34F0;
	_ =	strace $0x80000047;
	[dreg:$0x8] =	wrdreg s20  }
0x8: {  	s22 =	simm.s32 $0x1970;
	[dreg:$0x9] =	wrdreg s21  }
0x9: {  	s23 =	simm.s32 $0x3570;
	[dreg:$0xa] =	wrdreg s22  }
0xa: {  	s24 =	simm.s32 $0x19F0;
	[dreg:$0xb] =	wrdreg s23  }
0xb: {  	s25 =	simm.s32 $0x35F0;
	[dreg:$0xc] =	wrdreg s24  }
0xc: {  	s26 =	simm.s32 $0x1A70;
	[dreg:$0xd] =	wrdreg s25  }
0xd: {  	s29 =	simm.s32 $0x3670;
	[dreg:$0xe] =	wrdreg s26  }
0xe: {  	s30 =	simm.s32 $0x1AF0;
	[dreg:$0xf] =	wrdreg s29  }
0xf: {  	s31 =	simm.s32 $0x36F0;
	[dreg:$0x10] =	wrdreg s30  }
0x10: {  	s0 =	simm.s32 $0x1B70;
	[dreg:$0x11] =	wrdreg s31  }
0x11: {  	s9 =	simm.s32 $0x1BF0;
	[dreg:$0x12] =	wrdreg s0  }
0x12: {  	s10 =	simm.s32 $0x37F0;
	[dreg:$0x14] =	wrdreg s9  }
0x13: {  	s11 =	simm.s32 $0x1C70;
	[dreg:$0x15] =	wrdreg s10  }
0x14: {  	s12 =	simm.s32 $0x3870;
	[dreg:$0x16] =	wrdreg s11  }
0x15: {  	s13 =	simm.s32 $0x1CF0;
	[dreg:$0x17] =	wrdreg s12  }
0x16: {  	s14 =	simm.s32 $0x38F0;
	[dreg:$0x18] =	wrdreg s13  }
0x17: {  	s18 =	srdreg.scid;
	s15 =	simm.s32 $0x1D70;
	[dreg:$0x19] =	wrdreg s14  }
0x18: {  	s7 =	stileid.u32;
	s16 =	simm.s32 $0x3970;
	[dreg:$0x1a] =	wrdreg s15  }
0x19: {  	s17 =	simm.s32 $0x1DF0;
	s6 =	sand.u32 $0x1, s18;
	[dreg:$0x1b] =	wrdreg s16  }
0x1a: {  	p0 =	sne.s32 s7, $0x0;
	s18 =	simm.s32 $0x39F0;
	[dreg:$0x1c] =	wrdreg s17  }
0x1b: {  	s5 =	sshll.u32 s7, $0x8;
	s7 =	sshrl.u32 @!p0 s1, $0x3;
	[dreg:$0x1d] =	wrdreg s18  }
0x1c: {  	s20 =	simm.s32 $0x3A70;
	[dreg:$0x7] =	wrdreg s7  }
0x1d: {  	s21 =	simm.s32 $0x1EF0;
	[dreg:$0x1f] =	wrdreg s20  }
0x1e: {  	s22 =	simm.s32 $0x3AF0;
	[smem:$0x7C2] =	sst s21  }
0x1f: {  	s23 =	simm.s32 $0x1F70;
	[smem:$0x7C3] =	sst s22  }
0x20: {  	s24 =	simm.s32 $0x3B70;
	[smem:$0x7C4] =	sst s23  }
0x21: {  	s25 =	simm.s32 $0x1FF0;
	[smem:$0x7C5] =	sst s24  }
0x22: {  	s26 =	simm.s32 $0x3BF0;
	[smem:$0x7C6] =	sst s25  }
0x23: {  	s29 =	simm.s32 $0x2070;
	[smem:$0x7C7] =	sst s26  }
0x24: {  	s30 =	simm.s32 $0x3C70;
	[smem:$0x7C8] =	sst s29  }
0x25: {  	s31 =	simm.s32 $0x20F0;
	[smem:$0x7C9] =	sst s30  }
0x26: {  	s0 =	simm.s32 $0x3CF0;
	[smem:$0x7CA] =	sst s31  }
0x27: {  	s9 =	simm.s32 $0x3D70;
	[smem:$0x7CB] =	sst s0  }
0x28: {  	s10 =	simm.s32 $0x21F0;
	[smem:$0x7CD] =	sst s9  }
0x29: {  	s11 =	simm.s32 $0x3DF0;
	[smem:$0x7CE] =	sst s10  }
0x2a: {  	s12 =	simm.s32 $0x2270;
	[smem:$0x7CF] =	sst s11  }
0x2b: {  	s13 =	simm.s32 $0x3E70;
	[smem:$0x7D0] =	sst s12  }
0x2c: {  	s14 =	simm.s32 $0x22F0;
	[smem:$0x7D1] =	sst s13  }
0x2d: {  	s15 =	simm.s32 $0x3EF0;
	[smem:$0x7D2] =	sst s14  }
0x2e: {  	s16 =	simm.s32 $0x2370;
	[smem:$0x7D3] =	sst s15  }
0x2f: {  	s17 =	simm.s32 $0x3F70;
	[smem:$0x7D4] =	sst s16  }
0x30: {  	s8 =	sshll.u32 s6, $0x7;
	s18 =	simm.s32 $0x23F0;
	[smem:$0x7D5] =	sst s17  }
0x31: {  	s5 =	sor.u32 s8, s5;
	s8 =	simm.s32 $0x3770;
	[smem:$0x7D6] =	sst s18  }
0x32: {  	s20 =	simm.s32 $0x2470;
	[dreg:$0x13] =	wrdreg s8  }
0x33: {  	s21 =	simm.s32 $0x4070;
	[smem:$0x7D8] =	sst s20  }
0x34: {  	s22 =	simm.s32 $0x24F0;
	[smem:$0x7D9] =	sst s21  }
0x35: {  	s23 =	simm.s32 $0x40F0;
	[smem:$0x7DA] =	sst s22  }
0x36: {  	s24 =	simm.s32 $0x2570;
	[smem:$0x7DB] =	sst s23  }
0x37: {  	s25 =	simm.s32 $0x4170;
	[smem:$0x7DC] =	sst s24  }
0x38: {  	s26 =	simm.s32 $0x25F0;
	[smem:$0x7DD] =	sst s25  }
0x39: {  	s29 =	simm.s32 $0x41F0;
	[smem:$0x7DE] =	sst s26  }
0x3a: {  	s30 =	simm.s32 $0x2670;
	[smem:$0x7DF] =	sst s29  }
0x3b: {  	s31 =	simm.s32 $0x4270;
	[smem:$0x7E0] =	sst s30  }
0x3c: {  	s0 =	simm.s32 $0x26F0;
	[smem:$0x7E1] =	sst s31  }
0x3d: {  	s9 =	simm.s32 $0x2770;
	[smem:$0x7E2] =	sst s0  }
0x3e: {  	s10 =	simm.s32 $0x4370;
	[smem:$0x7E4] =	sst s9  }
0x3f: {  	s11 =	simm.s32 $0x27F0;
	[smem:$0x7E5] =	sst s10  }
0x40: {  	s12 =	simm.s32 $0x43F0;
	[smem:$0x7E6] =	sst s11  }
0x41: {  	s13 =	simm.s32 $0x2870;
	[smem:$0x7E7] =	sst s12  }
0x42: {  	s14 =	simm.s32 $0x4470;
	[smem:$0x7E8] =	sst s13  }
0x43: {  	s15 =	simm.s32 $0x28F0;
	[smem:$0x7E9] =	sst s14  }
0x44: {  	s16 =	simm.s32 $0x44F0;
	[smem:$0x7EA] =	sst s15  }
0x45: {  	s28 =	simm.s32 $0x3;
	s17 =	simm.s32 $0x2970;
	[smem:$0x7EB] =	sst s16  }
0x46: {  	s6 =	ssub.s32 $0x2, s6;
	s18 =	simm.s32 $0x4570;
	[smem:$0x7EC] =	sst s17  }
0x47: {  	s7 =	simm.s32 $0x8000;
	s8 =	simm.s32 $0x2170;
	[smem:$0x7ED] =	sst s18  }
0x48: {  	s3 =	sadd.s32 s3, s5;
	s20 =	simm.s32 $0x45F0;
	[smem:$0x7CC] =	sst s8  }
0x49: {  	s21 =	simm.s32 $0x2A70;
	s22 =	simm.s32 $0x4670;
	[smem:$0x7EF] =	sst s20  }
0x4a: {  	s23 =	sshrl.u32 s6, $0x1;
	s24 =	simm.s32 $0x2AF0;
	[smem:$0x7F0] =	sst s21  }
0x4b: {  	s25 =	simm.s32 $0x46F0;
	s4 =	sadd.s32 s4, s5;
	[smem:$0x7F1] =	sst s22  }
0x4c: {  	s26 =	simm.s32 $0x2B70;
	s29 =	simm.s32 $0x4770;
	[smem:$0x7F2] =	sst s24  }
0x4d: {  	s30 =	simm.s32 $0x2BF0;
	s9 =	simm.s32 $0x47F0;
	[smem:$0x7F3] =	sst s25  }
0x4e: {  	s10 =	simm.s32 $0x2C70;
	s11 =	simm.s32 $0x4870;
	[smem:$0x7F4] =	sst s26  }
0x4f: {  	s12 =	simm.s32 $0x2CF0;
	s13 =	simm.s32 $0x48F0;
	[smem:$0x7F5] =	sst s29  }
0x50: {  	s14 =	simm.s32 $0x2D70;
	s31 =	simm.s32 $0x4970;
	[smem:$0x7F6] =	sst s30  }
0x51: {  	s15 =	simm.s32 $0x49F0;
	s16 =	simm.s32 $0x2E70;
	[smem:$0x7F7] =	sst s9  }
0x52: {  	s17 =	simm.s32 $0x4A70;
	s18 =	simm.s32 $0x2EF0;
	[smem:$0x7F8] =	sst s10  }
0x53: {  	s19 =	sadd.s32 $0x6000, s3;
	s8 =	simm.s32 $0x42F0;
	[smem:$0x7F9] =	sst s11  }
0x54: {  	s6 =	ssub.s32 s6, s23;
	s9 =	simm.s32 $0x3070;
	[smem:$0x7FA] =	sst s12  }
0x55: {  	s10 =	simm.s32 $0x2;
	s11 =	simm.s32 $0x80;
	[smem:$0x7FB] =	sst s13  }
0x56: {  	s12 =	simm.s32 $0x3470;
	s13 =	simm.s32 $0x1;
	[smem:$0x7FC] =	sst s14  }
0x57: {  	[smem:$0x7FD] =	sst s31;
	s14 =	simm.s32 $0x2DF0;
	s20 =	simm.s32 $0x2F70  }
0x58: {  	s21 =	simm.s32 $0x4B70;
	s22 =	simm.s32 $0x2FF0;
	s23 =	simm.s32 $0x4BF0  }
0x59: {  	s24 =	simm.s32 $0x4C70;
	s25 =	simm.s32 $0x30F0;
	[dreg:$0x6] =	wrdreg s19  }
0x5a: {  	s26 =	simm.s32 $0x4CF0;
	s19 =	simm.s32 $0x1E70;
	[smem:$0x7E3] =	sst s8  }
0x5b: {  	s5 =	smax.u32 s6, $0x1;
	[dreg:$0x1e] =	wrdreg s19;
	s19 =	simm.s32 $0x3FF0  }
0x5c: {  	s6 =	simm.s32 $0x400;
	[smem:$0x7D7] =	sst s19;
	s19 =	simm.s32 $0x29F0  }
0x5d: {  	s8 =	simm.s32 $0x1870;
	[smem:$0x7EE] =	sst s19;
	s19 =	simm.s32 $0x4AF0  }
.LBB2_1:
0x5e: {  	[tilespmem:s8], [sflag:$0x2] =	stream.strided.gather [hbm4b:s3+s6], $0x1800, s7, s6, $0x38;
	[tilespmem:$0x5070] =	vst v63  }
0x5f: {  	s29 =	rddreg [dreg:$0x6]  }
0x60: {  	s30 =	rddreg [dreg:$0x5]  }
0x61: {  	[tilespmem:s9], [sflag:$0x2] =	stream.linear.gather [hbm4b:s29+s2], $0x100, $0x38;
	[tilespmem:$0x5070] =	vst v63  }
0x62: {  	s31 =	rddreg [dreg:$0x7];
	s29 =	simm.s32 @!p0 $0x1C03  }
0x63: {  	[spmem:s31], [sflag:s29] =	dma.local @!p0 [hbm:s30], $0x30E0  }
0x64: {  	s29 =	simm.s32 @!p0 $0x3  }
0x65: {  	_ =	swait.ge @!p0 [sflag:s29], $0x30E0  }
0x66: {  	[sflag:s29] =	ssyncset.done @!p0 $0x0  }
0x67: {  	[sflag:s29] =	ssyncadd.s32 @!p0 $0xFFFFCF20  }
0x68: {  	[bflag:$0x0] =	sbarrier.arrive $0xFFFF  }
0x69: {  	_ =	swait.ge [sflag:s10], $0x1900  }
0x6a: {  	s29 =	rddreg [dreg:$0x8]  }
0x6b: {  	[sflag:s10] =	ssyncset.done $0x0;
	s30 =	rddreg [dreg:$0x9]  }
0x6c: {  	s31 =	rddreg [dreg:$0xa];
	[sflag:s10] =	ssyncadd.s32 $0xFFFFE700  }
0x6d: {  	[tilespmem:s12], [sflag:$0x1] =	stream.indirect.gather [spmem:s1], $0x1, s8, s11, $0xb8;
	[tilespmem:$0x5070] =	vst v63  }
0x6e: {  	s0 =	rddreg [dreg:$0xb]  }
0x6f: {  	[tilespmem:s30], [sflag:$0x1] =	stream.indirect.gather [spmem:s1], $0x1, s29, s11, $0xb8;
	[tilespmem:$0x5070] =	vst v63  }
0x70: {  	s29 =	rddreg [dreg:$0xd]  }
0x71: {  	s30 =	rddreg [dreg:$0xe]  }
0x72: {  	[tilespmem:s0], [sflag:$0x1] =	stream.indirect.gather [spmem:s1], $0x1, s31, s11, $0xb8;
	[tilespmem:$0x5070] =	vst v63  }
0x73: {  	s0 =	rddreg [dreg:$0xc]  }
0x74: {  	s31 =	rddreg [dreg:$0xf]  }
0x75: {  	[tilespmem:s29], [sflag:$0x1] =	stream.indirect.gather [spmem:s1], $0x1, s0, s11, $0xb8;
	[tilespmem:$0x5070] =	vst v63  }
0x76: {  	s0 =	rddreg [dreg:$0x10]  }
0x77: {  	s29 =	rddreg [dreg:$0x11]  }
0x78: {  	[tilespmem:s31], [sflag:$0x1] =	stream.indirect.gather [spmem:s1], $0x1, s30, s11, $0xb8;
	[tilespmem:$0x5070] =	vst v63  }
0x79: {  	s30 =	rddreg [dreg:$0x12]  }
0x7a: {  	s31 =	rddreg [dreg:$0x13]  }
0x7b: {  	[tilespmem:s29], [sflag:$0x1] =	stream.indirect.gather [spmem:s1], $0x1, s0, s11, $0xb8;
	[tilespmem:$0x5070] =	vst v63  }
0x7c: {  	s0 =	rddreg [dreg:$0x14]  }
0x7d: {  	s29 =	rddreg [dreg:$0x15]  }
0x7e: {  	[tilespmem:s31], [sflag:$0x1] =	stream.indirect.gather [spmem:s1], $0x1, s30, s11, $0xb8;
	[tilespmem:$0x5070] =	vst v63  }
0x7f: {  	s30 =	rddreg [dreg:$0x16]  }
0x80: {  	s31 =	rddreg [dreg:$0x17]  }
0x81: {  	[tilespmem:s29], [sflag:$0x1] =	stream.indirect.gather [spmem:s1], $0x1, s0, s11, $0xb8;
	[tilespmem:$0x5070] =	vst v63  }
0x82: {  	s0 =	rddreg [dreg:$0x18]  }
0x83: {  	s29 =	rddreg [dreg:$0x19]  }
0x84: {  	[tilespmem:s31], [sflag:$0x1] =	stream.indirect.gather [spmem:s1], $0x1, s30, s11, $0xb8;
	[tilespmem:$0x5070] =	vst v63  }
0x85: {  	s30 =	rddreg [dreg:$0x1a]  }
0x86: {  	s31 =	rddreg [dreg:$0x1b]  }
0x87: {  	[tilespmem:s29], [sflag:$0x1] =	stream.indirect.gather [spmem:s1], $0x1, s0, s11, $0xb8;
	[tilespmem:$0x5070] =	vst v63  }
0x88: {  	s0 =	rddreg [dreg:$0x1c]  }
0x89: {  	s29 =	rddreg [dreg:$0x1d]  }
0x8a: {  	[tilespmem:s31], [sflag:$0x1] =	stream.indirect.gather [spmem:s1], $0x1, s30, s11, $0xb8;
	[tilespmem:$0x5070] =	vst v63  }
0x8b: {  	s30 =	rddreg [dreg:$0x1e]  }
0x8c: {  	s31 =	rddreg [dreg:$0x1f]  }
0x8d: {  	[tilespmem:s29], [sflag:$0x1] =	stream.indirect.gather [spmem:s1], $0x1, s0, s11, $0xb8;
	[tilespmem:$0x5070] =	vst v63  }
0x8e: {  	s0 =	sld [smem:$0x7C2]  }
0x8f: {  	s29 =	sld [smem:$0x7C3]  }
0x90: {  	[tilespmem:s31], [sflag:$0x1] =	stream.indirect.gather [spmem:s1], $0x1, s30, s11, $0xb8;
	[tilespmem:$0x5070] =	vst v63  }
0x91: {  	s30 =	sld [smem:$0x7C4]  }
0x92: {  	s31 =	sld [smem:$0x7C5]  }
0x93: {  	[tilespmem:s29], [sflag:$0x1] =	stream.indirect.gather [spmem:s1], $0x1, s0, s11, $0xb8;
	[tilespmem:$0x5070] =	vst v63  }
0x94: {  	s0 =	sld [smem:$0x7C6]  }
0x95: {  	s29 =	sld [smem:$0x7C7]  }
0x96: {  	[tilespmem:s31], [sflag:$0x1] =	stream.indirect.gather [spmem:s1], $0x1, s30, s11, $0xb8;
	[tilespmem:$0x5070] =	vst v63  }
0x97: {  	s30 =	sld [smem:$0x7C8]  }
0x98: {  	s31 =	sld [smem:$0x7C9]  }
0x99: {  	[tilespmem:s29], [sflag:$0x1] =	stream.indirect.gather [spmem:s1], $0x1, s0, s11, $0xb8;
	[tilespmem:$0x5070] =	vst v63  }
0x9a: {  	s0 =	sld [smem:$0x7CA]  }
0x9b: {  	s29 =	sld [smem:$0x7CB]  }
0x9c: {  	[tilespmem:s31], [sflag:$0x1] =	stream.indirect.gather [spmem:s1], $0x1, s30, s11, $0xb8;
	[tilespmem:$0x5070] =	vst v63  }
0x9d: {  	s30 =	sld [smem:$0x7CC]  }
0x9e: {  	s31 =	sld [smem:$0x7CD]  }
0x9f: {  	[tilespmem:s29], [sflag:$0x1] =	stream.indirect.gather [spmem:s1], $0x1, s0, s11, $0xb8;
	[tilespmem:$0x5070] =	vst v63  }
0xa0: {  	s0 =	sld [smem:$0x7CE]  }
0xa1: {  	s29 =	sld [smem:$0x7CF]  }
0xa2: {  	[tilespmem:s31], [sflag:$0x1] =	stream.indirect.gather [spmem:s1], $0x1, s30, s11, $0xb8;
	[tilespmem:$0x5070] =	vst v63  }
0xa3: {  	s30 =	sld [smem:$0x7D0]  }
0xa4: {  	s31 =	sld [smem:$0x7D1]  }
0xa5: {  	[tilespmem:s29], [sflag:$0x1] =	stream.indirect.gather [spmem:s1], $0x1, s0, s11, $0xb8;
	[tilespmem:$0x5070] =	vst v63  }
0xa6: {  	s0 =	sld [smem:$0x7D2]  }
0xa7: {  	s29 =	sld [smem:$0x7D3]  }
0xa8: {  	[tilespmem:s31], [sflag:$0x1] =	stream.indirect.gather [spmem:s1], $0x1, s30, s11, $0xb8;
	[tilespmem:$0x5070] =	vst v63  }
0xa9: {  	s30 =	sld [smem:$0x7D4]  }
0xaa: {  	s31 =	sld [smem:$0x7D5]  }
0xab: {  	[tilespmem:s29], [sflag:$0x1] =	stream.indirect.gather [spmem:s1], $0x1, s0, s11, $0xb8;
	[tilespmem:$0x5070] =	vst v63  }
0xac: {  	s0 =	sld [smem:$0x7D6]  }
0xad: {  	s29 =	sld [smem:$0x7D7]  }
0xae: {  	[tilespmem:s31], [sflag:$0x1] =	stream.indirect.gather [spmem:s1], $0x1, s30, s11, $0xb8;
	[tilespmem:$0x5070] =	vst v63  }
0xaf: {  	s30 =	sld [smem:$0x7D8]  }
0xb0: {  	s31 =	sld [smem:$0x7D9]  }
0xb1: {  	[tilespmem:s29], [sflag:$0x1] =	stream.indirect.gather [spmem:s1], $0x1, s0, s11, $0xb8;
	[tilespmem:$0x5070] =	vst v63  }
0xb2: {  	_ = 	snop  }
0xb3: {  	[tilespmem:s31], [sflag:$0x1] =	stream.indirect.gather [spmem:s1], $0x1, s30, s11, $0xb8;
	[tilespmem:$0x5070] =	vst v63  }
0xb4: {  	_ =	swait.ge [sflag:s13], $0x80  }
0xb5: {  	[sflag:s13] =	ssyncset.done $0x0  }
0xb6: {  	[sflag:s13] =	ssyncadd.s32 $0xFFFFFF80  }
0xb7: {  	_ =	swait.ge [sflag:s13], $0x80  }
0xb8: {  	[sflag:s13] =	ssyncset.done $0x0  }
0xb9: {  	[sflag:s13] =	ssyncadd.s32 $0xFFFFFF80  }
0xba: {  	_ =	swait.ge [sflag:s13], $0x80  }
0xbb: {  	[sflag:s13] =	ssyncset.done $0x0  }
0xbc: {  	[sflag:s13] =	ssyncadd.s32 $0xFFFFFF80  }
0xbd: {  	_ =	swait.ge [sflag:s13], $0x80  }
0xbe: {  	[sflag:s13] =	ssyncset.done $0x0  }
0xbf: {  	[sflag:s13] =	ssyncadd.s32 $0xFFFFFF80  }
0xc0: {  	_ =	swait.ge [sflag:s13], $0x80  }
0xc1: {  	[sflag:s13] =	ssyncset.done $0x0  }
0xc2: {  	[sflag:s13] =	ssyncadd.s32 $0xFFFFFF80  }
0xc3: {  	_ =	swait.ge [sflag:s13], $0x80  }
0xc4: {  	[sflag:s13] =	ssyncset.done $0x0  }
0xc5: {  	[sflag:s13] =	ssyncadd.s32 $0xFFFFFF80  }
0xc6: {  	_ =	swait.ge [sflag:s13], $0x80  }
0xc7: {  	[sflag:s13] =	ssyncset.done $0x0  }
0xc8: {  	[sflag:s13] =	ssyncadd.s32 $0xFFFFFF80  }
0xc9: {  	_ =	swait.ge [sflag:s13], $0x80  }
0xca: {  	[sflag:s13] =	ssyncset.done $0x0  }
0xcb: {  	[sflag:s13] =	ssyncadd.s32 $0xFFFFFF80  }
0xcc: {  	_ =	swait.ge [sflag:s13], $0x80  }
0xcd: {  	[sflag:s13] =	ssyncset.done $0x0  }
0xce: {  	[sflag:s13] =	ssyncadd.s32 $0xFFFFFF80  }
0xcf: {  	_ =	swait.ge [sflag:s13], $0x80  }
0xd0: {  	[sflag:s13] =	ssyncset.done $0x0  }
0xd1: {  	[sflag:s13] =	ssyncadd.s32 $0xFFFFFF80  }
0xd2: {  	_ =	swait.ge [sflag:s13], $0x80  }
0xd3: {  	[sflag:s13] =	ssyncset.done $0x0  }
0xd4: {  	[sflag:s13] =	ssyncadd.s32 $0xFFFFFF80  }
0xd5: {  	_ =	swait.ge [sflag:s13], $0x80  }
0xd6: {  	[sflag:s13] =	ssyncset.done $0x0  }
0xd7: {  	[sflag:s13] =	ssyncadd.s32 $0xFFFFFF80  }
0xd8: {  	_ =	swait.ge [sflag:s13], $0x80  }
0xd9: {  	[sflag:s13] =	ssyncset.done $0x0  }
0xda: {  	[sflag:s13] =	ssyncadd.s32 $0xFFFFFF80  }
0xdb: {  	_ =	swait.ge [sflag:s13], $0x80  }
0xdc: {  	[sflag:s13] =	ssyncset.done $0x0  }
0xdd: {  	[sflag:s13] =	ssyncadd.s32 $0xFFFFFF80  }
0xde: {  	_ =	swait.ge [sflag:s13], $0x80  }
0xdf: {  	[sflag:s13] =	ssyncset.done $0x0  }
0xe0: {  	[sflag:s13] =	ssyncadd.s32 $0xFFFFFF80  }
0xe1: {  	_ =	swait.ge [sflag:s13], $0x80  }
0xe2: {  	[sflag:s13] =	ssyncset.done $0x0  }
0xe3: {  	[sflag:s13] =	ssyncadd.s32 $0xFFFFFF80  }
0xe4: {  	_ =	swait.ge [sflag:s13], $0x80  }
0xe5: {  	[sflag:s13] =	ssyncset.done $0x0  }
0xe6: {  	[sflag:s13] =	ssyncadd.s32 $0xFFFFFF80  }
0xe7: {  	_ =	swait.ge [sflag:s13], $0x80  }
0xe8: {  	[sflag:s13] =	ssyncset.done $0x0  }
0xe9: {  	[sflag:s13] =	ssyncadd.s32 $0xFFFFFF80  }
0xea: {  	_ =	swait.ge [sflag:s13], $0x80  }
0xeb: {  	[sflag:s13] =	ssyncset.done $0x0  }
0xec: {  	[sflag:s13] =	ssyncadd.s32 $0xFFFFFF80  }
0xed: {  	_ =	swait.ge [sflag:s13], $0x80  }
0xee: {  	[sflag:s13] =	ssyncset.done $0x0  }
0xef: {  	[sflag:s13] =	ssyncadd.s32 $0xFFFFFF80  }
0xf0: {  	_ =	swait.ge [sflag:s13], $0x80  }
0xf1: {  	[sflag:s13] =	ssyncset.done $0x0  }
0xf2: {  	[sflag:s13] =	ssyncadd.s32 $0xFFFFFF80  }
0xf3: {  	_ =	swait.ge [sflag:s13], $0x80  }
0xf4: {  	[sflag:s13] =	ssyncset.done $0x0  }
0xf5: {  	[sflag:s13] =	ssyncadd.s32 $0xFFFFFF80  }
0xf6: {  	_ =	swait.ge [sflag:s13], $0x80  }
0xf7: {  	[sflag:s13] =	ssyncset.done $0x0  }
0xf8: {  	[sflag:s13] =	ssyncadd.s32 $0xFFFFFF80  }
0xf9: {  	_ =	swait.ge [sflag:s13], $0x80  }
0xfa: {  	[sflag:s13] =	ssyncset.done $0x0  }
0xfb: {  	[sflag:s13] =	ssyncadd.s32 $0xFFFFFF80  }
0xfc: {  	_ =	swait.ge [sflag:s13], $0x80  }
0xfd: {  	s0 =	sld [smem:$0x7DA]  }
0xfe: {  	s29 =	sld [smem:$0x7DB]  }
0xff: {  	[sflag:s13] =	ssyncset.done $0x0;
	s30 =	sld [smem:$0x7DC]  }
0x100: {  	s31 =	sld [smem:$0x7DD];
	[sflag:s13] =	ssyncadd.s32 $0xFFFFFF80  }
0x101: {  	[tilespmem:s29], [sflag:$0x1] =	stream.indirect.gather [spmem:s1], $0x1, s0, s11, $0xb8;
	[tilespmem:$0x5070] =	vst v63  }
0x102: {  	s0 =	sld [smem:$0x7DE]  }
0x103: {  	s29 =	sld [smem:$0x7DF]  }
0x104: {  	[tilespmem:s31], [sflag:$0x1] =	stream.indirect.gather [spmem:s1], $0x1, s30, s11, $0xb8;
	[tilespmem:$0x5070] =	vst v63  }
0x105: {  	s30 =	sld [smem:$0x7E0]  }
0x106: {  	s31 =	sld [smem:$0x7E1]  }
0x107: {  	[tilespmem:s29], [sflag:$0x1] =	stream.indirect.gather [spmem:s1], $0x1, s0, s11, $0xb8;
	[tilespmem:$0x5070] =	vst v63  }
0x108: {  	s0 =	sld [smem:$0x7E2]  }
0x109: {  	s29 =	sld [smem:$0x7E3]  }
0x10a: {  	[tilespmem:s31], [sflag:$0x1] =	stream.indirect.gather [spmem:s1], $0x1, s30, s11, $0xb8;
	[tilespmem:$0x5070] =	vst v63  }
0x10b: {  	s30 =	sld [smem:$0x7E4]  }
0x10c: {  	s31 =	sld [smem:$0x7E5]  }
0x10d: {  	[tilespmem:s29], [sflag:$0x1] =	stream.indirect.gather [spmem:s1], $0x1, s0, s11, $0xb8;
	[tilespmem:$0x5070] =	vst v63  }
0x10e: {  	s0 =	sld [smem:$0x7E6]  }
0x10f: {  	s29 =	sld [smem:$0x7E7]  }
0x110: {  	[tilespmem:s31], [sflag:$0x1] =	stream.indirect.gather [spmem:s1], $0x1, s30, s11, $0xb8;
	[tilespmem:$0x5070] =	vst v63  }
0x111: {  	s30 =	sld [smem:$0x7E8]  }
0x112: {  	s31 =	sld [smem:$0x7E9]  }
0x113: {  	[tilespmem:s29], [sflag:$0x1] =	stream.indirect.gather [spmem:s1], $0x1, s0, s11, $0xb8;
	[tilespmem:$0x5070] =	vst v63  }
0x114: {  	s0 =	sld [smem:$0x7EA]  }
0x115: {  	s29 =	sld [smem:$0x7EB]  }
0x116: {  	[tilespmem:s31], [sflag:$0x1] =	stream.indirect.gather [spmem:s1], $0x1, s30, s11, $0xb8;
	[tilespmem:$0x5070] =	vst v63  }
0x117: {  	s30 =	sld [smem:$0x7EC]  }
0x118: {  	s31 =	sld [smem:$0x7ED]  }
0x119: {  	[tilespmem:s29], [sflag:$0x1] =	stream.indirect.gather [spmem:s1], $0x1, s0, s11, $0xb8;
	[tilespmem:$0x5070] =	vst v63  }
0x11a: {  	s0 =	sld [smem:$0x7EE]  }
0x11b: {  	s29 =	sld [smem:$0x7EF]  }
0x11c: {  	[tilespmem:s31], [sflag:$0x1] =	stream.indirect.gather [spmem:s1], $0x1, s30, s11, $0xb8;
	[tilespmem:$0x5070] =	vst v63  }
0x11d: {  	s30 =	sld [smem:$0x7F0]  }
0x11e: {  	s31 =	sld [smem:$0x7F1]  }
0x11f: {  	[tilespmem:s29], [sflag:$0x1] =	stream.indirect.gather [spmem:s1], $0x1, s0, s11, $0xb8;
	[tilespmem:$0x5070] =	vst v63  }
0x120: {  	s0 =	sld [smem:$0x7F2]  }
0x121: {  	s29 =	sld [smem:$0x7F3]  }
0x122: {  	[tilespmem:s31], [sflag:$0x1] =	stream.indirect.gather [spmem:s1], $0x1, s30, s11, $0xb8;
	[tilespmem:$0x5070] =	vst v63  }
0x123: {  	s30 =	sld [smem:$0x7F4]  }
0x124: {  	s31 =	sld [smem:$0x7F5]  }
0x125: {  	[tilespmem:s29], [sflag:$0x1] =	stream.indirect.gather [spmem:s1], $0x1, s0, s11, $0xb8;
	[tilespmem:$0x5070] =	vst v63  }
0x126: {  	s0 =	sld [smem:$0x7F6]  }
0x127: {  	s29 =	sld [smem:$0x7F7]  }
0x128: {  	[tilespmem:s31], [sflag:$0x1] =	stream.indirect.gather [spmem:s1], $0x1, s30, s11, $0xb8;
	[tilespmem:$0x5070] =	vst v63  }
0x129: {  	s30 =	sld [smem:$0x7F8]  }
0x12a: {  	s31 =	sld [smem:$0x7F9]  }
0x12b: {  	[tilespmem:s29], [sflag:$0x1] =	stream.indirect.gather [spmem:s1], $0x1, s0, s11, $0xb8;
	[tilespmem:$0x5070] =	vst v63  }
0x12c: {  	s0 =	sld [smem:$0x7FA]  }
0x12d: {  	s29 =	sld [smem:$0x7FB]  }
0x12e: {  	[tilespmem:s31], [sflag:$0x1] =	stream.indirect.gather [spmem:s1], $0x1, s30, s11, $0xb8;
	[tilespmem:$0x5070] =	vst v63  }
0x12f: {  	s30 =	sld [smem:$0x7FC]  }
0x130: {  	s31 =	sld [smem:$0x7FD]  }
0x131: {  	[tilespmem:s29], [sflag:$0x1] =	stream.indirect.gather [spmem:s1], $0x1, s0, s11, $0xb8;
	[tilespmem:$0x5070] =	vst v63  }
0x132: {  	_ = 	snop  }
0x133: {  	[tilespmem:s31], [sflag:$0x1] =	stream.indirect.gather [spmem:s1], $0x1, s30, s11, $0xb8;
	[tilespmem:$0x5070] =	vst v63  }
0x134: {  	_ = 	snop  }
0x135: {  	[tilespmem:s15], [sflag:$0x1] =	stream.indirect.gather [spmem:s1], $0x1, s14, s11, $0xb8;
	[tilespmem:$0x5070] =	vst v63  }
0x136: {  	_ = 	snop  }
0x137: {  	[tilespmem:s17], [sflag:$0x1] =	stream.indirect.gather [spmem:s1], $0x1, s16, s11, $0xb8;
	[tilespmem:$0x5070] =	vst v63  }
0x138: {  	_ = 	snop  }
0x139: {  	[tilespmem:s19], [sflag:$0x1] =	stream.indirect.gather [spmem:s1], $0x1, s18, s11, $0xb8;
	[tilespmem:$0x5070] =	vst v63  }
0x13a: {  	_ = 	snop  }
0x13b: {  	[tilespmem:s21], [sflag:$0x1] =	stream.indirect.gather [spmem:s1], $0x1, s20, s11, $0xb8;
	[tilespmem:$0x5070] =	vst v63  }
0x13c: {  	_ = 	snop  }
0x13d: {  	[tilespmem:s23], [sflag:$0x1] =	stream.indirect.gather [spmem:s1], $0x1, s22, s11, $0xb8;
	[tilespmem:$0x5070] =	vst v63  }
0x13e: {  	_ = 	snop  }
0x13f: {  	[tilespmem:s24], [sflag:$0x1] =	stream.indirect.gather [spmem:s1], $0x1, s9, s11, $0xb8;
	[tilespmem:$0x5070] =	vst v63  }
0x140: {  	_ = 	snop  }
0x141: {  	[tilespmem:s26], [sflag:$0x1] =	stream.indirect.gather [spmem:s1], $0x1, s25, s11, $0xb8;
	[tilespmem:$0x5070] =	vst v63  }
0x142: {  	_ =	swait.ge [sflag:s13], $0x80  }
0x143: {  	[sflag:s13] =	ssyncset.done $0x0  }
0x144: {  	[sflag:s13] =	ssyncadd.s32 $0xFFFFFF80  }
0x145: {  	_ =	swait.ge [sflag:s13], $0x80  }
0x146: {  	[sflag:s13] =	ssyncset.done $0x0  }
0x147: {  	[sflag:s13] =	ssyncadd.s32 $0xFFFFFF80  }
0x148: {  	_ =	swait.ge [sflag:s13], $0x80  }
0x149: {  	[sflag:s13] =	ssyncset.done $0x0  }
0x14a: {  	[sflag:s13] =	ssyncadd.s32 $0xFFFFFF80  }
0x14b: {  	_ =	swait.ge [sflag:s13], $0x80  }
0x14c: {  	[sflag:s13] =	ssyncset.done $0x0  }
0x14d: {  	[sflag:s13] =	ssyncadd.s32 $0xFFFFFF80  }
0x14e: {  	_ =	swait.ge [sflag:s13], $0x80  }
0x14f: {  	[sflag:s13] =	ssyncset.done $0x0  }
0x150: {  	[sflag:s13] =	ssyncadd.s32 $0xFFFFFF80  }
0x151: {  	_ =	swait.ge [sflag:s13], $0x80  }
0x152: {  	[sflag:s13] =	ssyncset.done $0x0  }
0x153: {  	[sflag:s13] =	ssyncadd.s32 $0xFFFFFF80  }
0x154: {  	_ =	swait.ge [sflag:s13], $0x80  }
0x155: {  	[sflag:s13] =	ssyncset.done $0x0  }
0x156: {  	[sflag:s13] =	ssyncadd.s32 $0xFFFFFF80  }
0x157: {  	_ =	swait.ge [sflag:s13], $0x80  }
0x158: {  	[sflag:s13] =	ssyncset.done $0x0  }
0x159: {  	[sflag:s13] =	ssyncadd.s32 $0xFFFFFF80  }
0x15a: {  	_ =	swait.ge [sflag:s13], $0x80  }
0x15b: {  	[sflag:s13] =	ssyncset.done $0x0  }
0x15c: {  	[sflag:s13] =	ssyncadd.s32 $0xFFFFFF80  }
0x15d: {  	_ =	swait.ge [sflag:s13], $0x80  }
0x15e: {  	[sflag:s13] =	ssyncset.done $0x0  }
0x15f: {  	[sflag:s13] =	ssyncadd.s32 $0xFFFFFF80  }
0x160: {  	_ =	swait.ge [sflag:s13], $0x80  }
0x161: {  	[sflag:s13] =	ssyncset.done $0x0  }
0x162: {  	[sflag:s13] =	ssyncadd.s32 $0xFFFFFF80  }
0x163: {  	_ =	swait.ge [sflag:s13], $0x80  }
0x164: {  	[sflag:s13] =	ssyncset.done $0x0  }
0x165: {  	[sflag:s13] =	ssyncadd.s32 $0xFFFFFF80  }
0x166: {  	_ =	swait.ge [sflag:s13], $0x80  }
0x167: {  	[sflag:s13] =	ssyncset.done $0x0  }
0x168: {  	[sflag:s13] =	ssyncadd.s32 $0xFFFFFF80  }
0x169: {  	_ =	swait.ge [sflag:s13], $0x80  }
0x16a: {  	[sflag:s13] =	ssyncset.done $0x0  }
0x16b: {  	[sflag:s13] =	ssyncadd.s32 $0xFFFFFF80  }
0x16c: {  	_ =	swait.ge [sflag:s13], $0x80  }
0x16d: {  	[sflag:s13] =	ssyncset.done $0x0  }
0x16e: {  	[sflag:s13] =	ssyncadd.s32 $0xFFFFFF80  }
0x16f: {  	_ =	swait.ge [sflag:s13], $0x80  }
0x170: {  	[sflag:s13] =	ssyncset.done $0x0  }
0x171: {  	[sflag:s13] =	ssyncadd.s32 $0xFFFFFF80  }
0x172: {  	_ =	swait.ge [sflag:s13], $0x80  }
0x173: {  	[sflag:s13] =	ssyncset.done $0x0  }
0x174: {  	[sflag:s13] =	ssyncadd.s32 $0xFFFFFF80  }
0x175: {  	_ =	swait.ge [sflag:s13], $0x80  }
0x176: {  	[sflag:s13] =	ssyncset.done $0x0  }
0x177: {  	[sflag:s13] =	ssyncadd.s32 $0xFFFFFF80  }
0x178: {  	_ =	swait.ge [sflag:s13], $0x80  }
0x179: {  	[sflag:s13] =	ssyncset.done $0x0  }
0x17a: {  	[sflag:s13] =	ssyncadd.s32 $0xFFFFFF80  }
0x17b: {  	_ =	swait.ge [sflag:s13], $0x80  }
0x17c: {  	[sflag:s13] =	ssyncset.done $0x0  }
0x17d: {  	[sflag:s13] =	ssyncadd.s32 $0xFFFFFF80  }
0x17e: {  	_ =	swait.ge [sflag:s13], $0x80  }
0x17f: {  	[sflag:s13] =	ssyncset.done $0x0  }
0x180: {  	[sflag:s13] =	ssyncadd.s32 $0xFFFFFF80  }
0x181: {  	_ =	swait.ge [sflag:s13], $0x80  }
0x182: {  	[sflag:s13] =	ssyncset.done $0x0  }
0x183: {  	[sflag:s13] =	ssyncadd.s32 $0xFFFFFF80  }
0x184: {  	_ =	swait.ge [sflag:s13], $0x80  }
0x185: {  	[sflag:s13] =	ssyncset.done $0x0  }
0x186: {  	[sflag:s13] =	ssyncadd.s32 $0xFFFFFF80  }
0x187: {  	_ =	swait.ge [sflag:s13], $0x80  }
0x188: {  	[sflag:s13] =	ssyncset.done $0x0  }
0x189: {  	[sflag:s13] =	ssyncadd.s32 $0xFFFFFF80  }
0x18a: {  	_ =	swait.ge [sflag:s13], $0x80  }
0x18b: {  	s5 =	sadd.s32 $0xFFFFFFFF, s5;
	[sflag:s13] =	ssyncset.done $0x0  }
0x18c: {  	p1 =	sne.s32 s5, $0x0;
	[sflag:s13] =	ssyncadd.s32 $0xFFFFFF80  }
0x18d: {  	[hbm4b:s4+s6] =	stream.strided.scatter [tilespmem:s12], [sflag:$0x3], $0x1800, s7, s6, $0x38;
	[tilespmem:$0x5070] =	vst v63  }
.Ltmp0:
0x18e: {  	s31 =	sadd.s32 $0x6000, s4;
	(pc) =	sbr.rel @p1 .LBB2_1-.Ltmp0, $4  }
0x18f: {  	[hbm4b:s31+s2] =	stream.linear.scatter [tilespmem:s24], [sflag:$0x3], $0x100, $0x38;
	[tilespmem:$0x5070] =	vst v63  }
0x190: {  	_ =	swait.ge [sflag:s28], $0x1900  }
0x191: {  	[sflag:s28] =	ssyncset.done $0x0  }
0x192: {  	[sflag:s28] =	ssyncadd.s32 $0xFFFFE700  }
0x193: {  	_ =	sfence.sel $0x180000  }
0x194: {  	[bflag:$0x0] =	sbarrier.arrive $0xFFFF  }
0x195: {  	_ =	strace $0x90000047  }
0x196: {  	[bflag:$0x2] =	sbarrier.arrive $0xFFFF  }
0x197: {  	s0 =	rddreg [dreg:$0x4]  }
0x198: {  	s0 =	sadd.s32 @!p0 $0x100000, s0  }
0x199: {  	[sflag:s0] =	ssyncadd.tile.s32 @!p0 $0x1;
	_ =	shalt  }
.Lfunc_end2:
_tile_overlayer_lowered:
.L_overlay_start_2:
0x19a: {  	(tag) =	ssettag $0x2  }
0x19b: {  	s0 =	rddreg [dreg:$0x0];
	s2 =	stileid.u32  }
0x19c: {  	s1 =	rddreg [dreg:$0x1];
	p0 =	sne.s32 s2, $0x0  }
0x19d: {  	s3 =	rddreg [dreg:$0x2];
	[bflag:$0x3] =	sbarrier.arrive $0xFFFF;
	s2 =	simm.s32 @!p0 $0x1C03  }
0x19e: {  	[timem:s3], [sflag:s2] =	dma.local @!p0 [hbm:s0], s1  }
0x19f: {  	s0 =	simm.s32 @!p0 $0x3  }
0x1a0: {  	_ =	swait.ge @!p0 [sflag:s0], s1  }
0x1a1: {  	s1 =	ssub.s32 @!p0 $0x0, s1;
	[sflag:s0] =	ssyncset.done @!p0 $0x0  }
0x1a2: {  	[sflag:s0] =	ssyncadd.s32 @!p0 s1  }
0x1a3: {  	[bflag:$0x3] =	sbarrier.arrive $0xFFFF  }
0x1a4: {  	_ =	shalt  }

</sc_bundles>
